<compile_context>
chip_gen: v7x
topology: tpu7x:2x2x1
jax: 0.10.2.dev20260603
libtpu: 0.0.44.dev20260713+nightly
codegen_flags: <defaults>
</compile_context>

<pallas_src>
import functools

import jax
import jax.numpy as jnp
from jax import lax
from jax.experimental import pallas as pl
from jax.experimental.pallas import tpu as pltpu
from jax.experimental.pallas import tpu_sc as plsc

N = 4096
D = 256
R_PAD = 1024
REP = 1
E = 65536



def _scores_body(relt_ref, w_ref, out_ref):
    s = jnp.sum(relt_ref[...] * w_ref[...], axis=0, keepdims=True)
    out_ref[...] = jnp.broadcast_to(jnp.maximum(s, 0.0) + 1.0, (REP, R_PAD))


def _compute_scores(relt_pad, w_col):
    return pl.pallas_call(
        _scores_body,
        out_shape=jax.ShapeDtypeStruct((REP, R_PAD), jnp.float32),
    )(relt_pad, w_col)



_NC = 2
_NS = 16
_NW = _NC * _NS
_EPW = E // _NW
_E2PW = 2 * _EPW
_DUMP_ROWS = (2 * E + N - 1) // N

_sc_mesh = plsc.VectorSubcoreMesh(core_axis_name="c", subcore_axis_name="s")

_SCATTER_SCRATCH = [
    pltpu.VMEM((_EPW,), jnp.int32),
    pltpu.VMEM((_EPW,), jnp.int32),
    pltpu.VMEM((_EPW,), jnp.int32),
    pltpu.VMEM((_EPW,), jnp.int32),
    pltpu.VMEM((_EPW,), jnp.float32),
    pltpu.VMEM_SHARED((R_PAD,), jnp.float32),
    pltpu.SemaphoreType.DMA,
]


def _stage_table(table_hbm, spmem_ref):
    @pl.when(lax.axis_index("s") == 0)
    def _():
        pltpu.sync_copy(table_hbm, spmem_ref)

    plsc.subcore_barrier()


def _make_phase_kernel(sign):
    @functools.partial(pl.kernel, mesh=_sc_mesh, out_type=(),
                       scratch_types=_SCATTER_SCRATCH)
    def _phase(rows_hbm, cols_hbm, ridx_hbm, table_hbm, buf_ref,
               r_v, c_v, ri_v, flat_v, val_v, tab_s, sem):
        wid = lax.axis_index("s") * _NC + lax.axis_index("c")
        _stage_table(table_hbm, tab_s)
        pltpu.sync_copy(rows_hbm.at[wid], r_v)
        pltpu.sync_copy(cols_hbm.at[wid], c_v)
        pltpu.sync_copy(ridx_hbm.at[wid], ri_v)

        @pl.loop(0, _EPW // 16)
        def _prep(j):
            sl = pl.ds(j * 16, 16)
            flat_v[sl] = r_v[sl] * N + c_v[sl]

        pltpu.async_copy(tab_s.at[ri_v], val_v, sem).wait()

        @pl.loop(0, _EPW // 16)
        def _sgn(j):
            sl = pl.ds(j * 16, 16)
            val_v[sl] = val_v[sl] * sign

        pltpu.async_copy(val_v, buf_ref.at[flat_v], sem).wait()

    return _phase


_sc_fwd = _make_phase_kernel(-1.0)
_sc_bwd = _make_phase_kernel(1.0)

_CHK_SCRATCH = [
    pltpu.VMEM((_E2PW,), jnp.int32),
    pltpu.VMEM((_E2PW,), jnp.float32),
    pltpu.VMEM((_E2PW,), jnp.float32),
    pltpu.VMEM((_E2PW,), jnp.int32),
    pltpu.VMEM((_E2PW,), jnp.float32),
    pltpu.VMEM((_EPW,), jnp.int32),
    pltpu.VMEM((_EPW,), jnp.int32),
    pltpu.VMEM((_EPW,), jnp.int32),
    pltpu.VMEM_SHARED((R_PAD,), jnp.float32),
    pltpu.SemaphoreType.DMA,
    pltpu.SemaphoreType.DMA,
    pltpu.SemaphoreType.DMA,
    pltpu.SemaphoreType.DMA,
]


@functools.partial(pl.kernel, mesh=_sc_mesh, out_type=(),
                   scratch_types=_CHK_SCRATCH)
def _sc_check(rows_hbm, cols_hbm, ridx_hbm, table_hbm, buf_ref,
              pflat_hbm, pval_hbm,
              flat_v, own_v, got_v, pt_v, pv_v, a_v, b_v, ri_v, tab_s,
              sem, semb, semc, semd):
    wid = lax.axis_index("s") * _NC + lax.axis_index("c")
    _stage_table(table_hbm, tab_s)
    pltpu.sync_copy(rows_hbm.at[wid], a_v)
    pltpu.sync_copy(cols_hbm.at[wid], b_v)
    pltpu.sync_copy(ridx_hbm.at[wid], ri_v)

    @pl.loop(0, _EPW // 16)
    def _prep(j):
        sl = pl.ds(j * 16, 16)
        sl2 = pl.ds(_EPW + j * 16, 16)
        flat_v[sl] = a_v[sl] * N + b_v[sl]
        flat_v[sl2] = b_v[sl] * N + a_v[sl]

    cpg = pltpu.async_copy(tab_s.at[ri_v], got_v.at[pl.ds(0, _EPW)], sem)
    cpg.wait()

    @pl.loop(0, _EPW // 16)
    def _own(j):
        sl = pl.ds(j * 16, 16)
        sl2 = pl.ds(_EPW + j * 16, 16)
        t = got_v[sl]
        own_v[sl] = -t
        own_v[sl2] = t

    q = _E2PW // 4
    cps = [
        pltpu.async_copy(buf_ref.at[flat_v.at[pl.ds(i * q, q)]],
                         got_v.at[pl.ds(i * q, q)], s)
        for i, s in enumerate((sem, semb, semc, semd))
    ]
    for cp in cps:
        cp.wait()

    lane = lax.iota(jnp.int32, 16)
    dump = N * N + wid * _E2PW

    @pl.loop(0, _E2PW // 16)
    def _decide(j):
        sl = pl.ds(j * 16, 16)
        g = got_v[sl]
        mine = own_v[sl]
        same_phase = jnp.where(mine < 0.0, g < 0.0, g > 0.0)
        patch = same_phase & (g != mine)
        pt_v[sl] = jnp.where(patch, flat_v[sl], dump + j * 16 + lane)
        pv_v[sl] = (g + mine) * 0.5

    pltpu.sync_copy(pt_v, pflat_hbm.at[wid])
    pltpu.sync_copy(pv_v, pval_hbm.at[wid])


@functools.partial(pl.kernel, mesh=_sc_mesh, out_type=(),
                   scratch_types=[
                       pltpu.VMEM((_E2PW,), jnp.int32),
                       pltpu.VMEM((_E2PW,), jnp.float32),
                       pltpu.SemaphoreType.DMA,
                   ])
def _sc_patch(pflat_hbm, pval_hbm, buf_ref, pt_v, pv_v, sem):
    wid = lax.axis_index("s") * _NC + lax.axis_index("c")
    pltpu.sync_copy(pflat_hbm.at[wid], pt_v)
    pltpu.sync_copy(pval_hbm.at[wid], pv_v)
    pltpu.async_copy(pv_v, buf_ref.at[pt_v], sem).wait()



_BR = 256


def _flash_body(b_ref, adj_ref, inp_ref, bias_ref, out_ref):
    lb = b_ref[...]
    l = jnp.where(lb != 0.0, jnp.abs(lb) - 1.0, 0.0)
    m = l + adj_ref[...]
    mx = jnp.max(m, axis=1, keepdims=True)
    e = jnp.exp(m - mx)
    z = jnp.sum(e, axis=1, keepdims=True)
    acc = jnp.dot(e, inp_ref[...], preferred_element_type=jnp.float32)
    r = acc / z + bias_ref[...]
    out_ref[...] = jnp.where(r > 0.0, r, jnp.exp(r) - 1.0)


def _flash_call(buf, adj, inp, bias_row):
    grid = (N // _BR,)
    return pl.pallas_call(
        _flash_body,
        grid=grid,
        in_specs=[
            pl.BlockSpec((_BR, N), lambda i: (i, 0)),
            pl.BlockSpec((_BR, N), lambda i: (i, 0)),
            pl.BlockSpec((N, D), lambda i: (0, 0)),
            pl.BlockSpec((1, D), lambda i: (0, 0)),
        ],
        out_specs=pl.BlockSpec((_BR, D), lambda i: (i, 0)),
        out_shape=jax.ShapeDtypeStruct((N, D), jnp.float32),
    )(buf, adj, inp, bias_row)




def kernel(input, rel, edge_index, rel_idx, adj, w_rel, bias):
    relt_pad = jnp.pad(rel, ((0, R_PAD - rel.shape[0]), (0, 0))).T
    table = _compute_scores(relt_pad, w_rel.reshape(-1, 1)).reshape(REP * R_PAD)
    e1 = edge_index[0].reshape(_NW, _EPW)
    e2 = edge_index[1].reshape(_NW, _EPW)
    ridx = rel_idx.reshape(_NW, _EPW)
    buf_ref = jax.new_ref(jnp.zeros((N * (N + _DUMP_ROWS),), jnp.float32))
    pflat_ref = jax.new_ref(jnp.zeros((_NW, _E2PW), jnp.int32))
    pval_ref = jax.new_ref(jnp.zeros((_NW, _E2PW), jnp.float32))
    _sc_fwd(e1, e2, ridx, table, buf_ref)
    _sc_bwd(e2, e1, ridx, table, buf_ref)
    _sc_check(e1, e2, ridx, table, buf_ref, pflat_ref, pval_ref)
    _sc_patch(pflat_ref, pval_ref, buf_ref)
    buf = buf_ref[...].reshape(N + _DUMP_ROWS, N)
    return _flash_call(buf, adj, input, bias.reshape(1, D))

# --- scband reference (transcript-rebuilt; emitter-appended) ---
"""Pipeline reference for scband-graph-attention-layer-rel-24558622999095 (READ-ONLY COPY).

The authoritative reference and input builder live on the scoring server;
editing this copy changes nothing except your own understanding.
"""

import jax, jax.numpy as jnp
import numpy as np

N = 4096
D = 256
IN_RELS = 64
R = 1000
E = 65536


def setup_inputs(seed: int = 0) -> dict:
    key = jax.random.key(seed)
    k0, k1, k2, k3, k4, k5 = jax.random.split(key, 6)
    inp = jax.random.normal(k0, (N, D), dtype=jnp.float32)
    rel = jax.random.normal(k1, (R, IN_RELS), dtype=jnp.float32)
    edge_index = jax.random.randint(k2, (2, E), 0, N, dtype=jnp.int32)
    rel_idx = jax.random.randint(k3, (E,), 0, R, dtype=jnp.int32)
    adj = jax.random.normal(k4, (N, N), dtype=jnp.float32)
    # Parameters: Conv1d(in_rels, 1, k=1, bias=False) == vector w_rel of shape (IN_RELS,)
    w_rel = jax.random.normal(k5, (IN_RELS,), dtype=jnp.float32) * 0.1
    bias = jnp.zeros((D,), dtype=jnp.float32)
    return {"input": inp, "rel": rel, "edge_index": edge_index, "rel_idx": rel_idx,
            "adj": adj, "w_rel": w_rel, "bias": bias}


def reference(input, rel, edge_index, rel_idx, adj, w_rel, bias):
    # seq_fts_rel[0,0,j] = sum_c w_rel[c] * rel[j, c]  (Conv1d kernel-1 == linear over channels)
    scores = rel @ w_rel                       # (R,)
    edge_scores = jnp.take(scores, rel_idx)    # (E,) one relation per edge (tensorized rel_dict)
    e1 = edge_index[0]
    e2 = edge_index[1]
    logits = jnp.zeros_like(adj)
    logits = logits.at[e1, e2].set(edge_scores)
    logits = logits.at[e2, e1].set(edge_scores)  # symmetric assignment as in the loop
    coefs = jax.nn.softmax(jax.nn.relu(logits) + adj, axis=1)
    # dropout is identity in eval mode
    ret = coefs @ input + bias
    # concat=True -> ELU
    return jax.nn.elu(ret)

if __name__ == "__main__":
    import jax
    _d = setup_inputs()
    print(jax.jit(kernel)(*tuple(_d.values())))

</pallas_src>

<mosaic_0001>
#map = affine_map<(d0, d1) -> (0, 0)>
#map1 = affine_map<(d0, d1) -> (0)>
module attributes {stable_mosaic.version = 14 : i64} {
  func.func @new_body(%arg0: i32, %arg1: i32, %arg2: memref<32x2048xi32, #tpu.memory_space<hbm>>, %arg3: memref<32x2048xi32, #tpu.memory_space<hbm>>, %arg4: memref<32x2048xi32, #tpu.memory_space<hbm>>, %arg5: memref<1024xf32, #tpu.memory_space<hbm>>, %arg6: memref<16908288xf32, #tpu.memory_space<hbm>>, %arg7: memref<16908288xf32, #tpu.memory_space<hbm>>, %arg8: memref<2048xi32, #tpu.memory_space<vmem>>, %arg9: memref<2048xi32, #tpu.memory_space<vmem>>, %arg10: memref<2048xi32, #tpu.memory_space<vmem>>, %arg11: memref<2048xi32, #tpu.memory_space<vmem>>, %arg12: memref<2048xf32, #tpu.memory_space<vmem>>, %arg13: memref<1024xf32, #tpu.memory_space<vmem_shared>>, %arg14: memref<!tpu.dma_semaphore, #tpu.memory_space<semaphore_mem>>) attributes {dimension_semantics = [#tpu.dimension_semantics<core_parallel>, #tpu.dimension_semantics<subcore_parallel>], iteration_bounds = array<i64: 2, 16>, scalar_prefetch = 0 : i64, scratch_operands = 7 : i64, tpu.core_type = #tpu.core_type<sc_vector_subcore>, window_params = [{transform_indices = #map}, {transform_indices = #map}, {transform_indices = #map}, {transform_indices = #map1}, {transform_indices = #map1}, {transform_indices = #map1}]} {
    %mul3A = arith.constant 2 : i32
    %mul3A_0 = arith.muli %arg1, %mul3A : i32
    %add3A = arith.addi %mul3A_0, %arg0 : i32
    %eq3A = arith.constant 0 : i32
    %eq3A_1 = arith.cmpi eq, %arg1, %eq3A : i32
    %convert_element_type3A = arith.extui %eq3A_1 : i1 to i32
    %cond3A = arith.constant 0 : i32
    %cond3A_2 = arith.cmpi ne, %convert_element_type3A, %cond3A : i32
    scf.if %cond3A_2 {
      "tpu.region"() ({
        %run_scoped3A = tpu.sem_alloc : memref<!tpu.dma_semaphore, #tpu.memory_space<semaphore_mem>>
        tpu.enqueue_dma source(%arg5 : memref<1024xf32, #tpu.memory_space<hbm>>) target(%arg13 : memref<1024xf32, #tpu.memory_space<vmem_shared>>) target_semaphore(%run_scoped3A : memref<!tpu.dma_semaphore, #tpu.memory_space<semaphore_mem>>)
        tpu.wait_dma2 semaphore(%run_scoped3A : memref<!tpu.dma_semaphore, #tpu.memory_space<semaphore_mem>>) src(%arg5 : memref<1024xf32, #tpu.memory_space<hbm>>) dst(%arg13 : memref<1024xf32, #tpu.memory_space<vmem_shared>>)
        tpu.yield
      }) : () -> ()
    } else {
    }
    %barrier3A = arith.constant 0 : index
    tpu.barrier barrier_id(%barrier3A)
    "tpu.region"() ({
      %run_scoped3A = tpu.sem_alloc : memref<!tpu.dma_semaphore, #tpu.memory_space<semaphore_mem>>
      %dma_start3A_18 = arith.constant 0 : i32
      %dma_start3A_19 = tpu.memref_slice %arg2[%add3A, %dma_start3A_18] : memref<32x2048xi32, #tpu.memory_space<hbm>> -> memref<1x2048xi32, #tpu.memory_space<hbm>>
      %dma_start3A_20 = tpu.memref_squeeze %dma_start3A_19 : memref<1x2048xi32, #tpu.memory_space<hbm>> -> memref<2048xi32, #tpu.memory_space<hbm>>
      %dma_start3A_21 = arith.constant 0 : i32
      %dma_start3A_22 = tpu.memref_slice %arg2[%add3A, %dma_start3A_21] : memref<32x2048xi32, #tpu.memory_space<hbm>> -> memref<1x2048xi32, #tpu.memory_space<hbm>>
      %dma_start3A_23 = tpu.memref_squeeze %dma_start3A_22 : memref<1x2048xi32, #tpu.memory_space<hbm>> -> memref<2048xi32, #tpu.memory_space<hbm>>
      tpu.enqueue_dma source(%dma_start3A_23 : memref<2048xi32, #tpu.memory_space<hbm>>) target(%arg8 : memref<2048xi32, #tpu.memory_space<vmem>>) target_semaphore(%run_scoped3A : memref<!tpu.dma_semaphore, #tpu.memory_space<semaphore_mem>>)
      %dma_wait3A_24 = arith.constant 0 : i32
      %dma_wait3A_25 = tpu.memref_slice %arg2[%add3A, %dma_wait3A_24] : memref<32x2048xi32, #tpu.memory_space<hbm>> -> memref<1x2048xi32, #tpu.memory_space<hbm>>
      %dma_wait3A_26 = tpu.memref_squeeze %dma_wait3A_25 : memref<1x2048xi32, #tpu.memory_space<hbm>> -> memref<2048xi32, #tpu.memory_space<hbm>>
      %dma_wait3A_27 = arith.constant 0 : i32
      %dma_wait3A_28 = tpu.memref_slice %arg2[%add3A, %dma_wait3A_27] : memref<32x2048xi32, #tpu.memory_space<hbm>> -> memref<1x2048xi32, #tpu.memory_space<hbm>>
      %dma_wait3A_29 = tpu.memref_squeeze %dma_wait3A_28 : memref<1x2048xi32, #tpu.memory_space<hbm>> -> memref<2048xi32, #tpu.memory_space<hbm>>
      tpu.wait_dma2 semaphore(%run_scoped3A : memref<!tpu.dma_semaphore, #tpu.memory_space<semaphore_mem>>) src(%dma_wait3A_29 : memref<2048xi32, #tpu.memory_space<hbm>>) dst(%arg8 : memref<2048xi32, #tpu.memory_space<vmem>>)
      tpu.yield
    }) : () -> ()
    "tpu.region"() ({
      %run_scoped3A = tpu.sem_alloc : memref<!tpu.dma_semaphore, #tpu.memory_space<semaphore_mem>>
      %dma_start3A_18 = arith.constant 0 : i32
      %dma_start3A_19 = tpu.memref_slice %arg3[%add3A, %dma_start3A_18] : memref<32x2048xi32, #tpu.memory_space<hbm>> -> memref<1x2048xi32, #tpu.memory_space<hbm>>
      %dma_start3A_20 = tpu.memref_squeeze %dma_start3A_19 : memref<1x2048xi32, #tpu.memory_space<hbm>> -> memref<2048xi32, #tpu.memory_space<hbm>>
      %dma_start3A_21 = arith.constant 0 : i32
      %dma_start3A_22 = tpu.memref_slice %arg3[%add3A, %dma_start3A_21] : memref<32x2048xi32, #tpu.memory_space<hbm>> -> memref<1x2048xi32, #tpu.memory_space<hbm>>
      %dma_start3A_23 = tpu.memref_squeeze %dma_start3A_22 : memref<1x2048xi32, #tpu.memory_space<hbm>> -> memref<2048xi32, #tpu.memory_space<hbm>>
      tpu.enqueue_dma source(%dma_start3A_23 : memref<2048xi32, #tpu.memory_space<hbm>>) target(%arg9 : memref<2048xi32, #tpu.memory_space<vmem>>) target_semaphore(%run_scoped3A : memref<!tpu.dma_semaphore, #tpu.memory_space<semaphore_mem>>)
      %dma_wait3A_24 = arith.constant 0 : i32
      %dma_wait3A_25 = tpu.memref_slice %arg3[%add3A, %dma_wait3A_24] : memref<32x2048xi32, #tpu.memory_space<hbm>> -> memref<1x2048xi32, #tpu.memory_space<hbm>>
      %dma_wait3A_26 = tpu.memref_squeeze %dma_wait3A_25 : memref<1x2048xi32, #tpu.memory_space<hbm>> -> memref<2048xi32, #tpu.memory_space<hbm>>
      %dma_wait3A_27 = arith.constant 0 : i32
      %dma_wait3A_28 = tpu.memref_slice %arg3[%add3A, %dma_wait3A_27] : memref<32x2048xi32, #tpu.memory_space<hbm>> -> memref<1x2048xi32, #tpu.memory_space<hbm>>
      %dma_wait3A_29 = tpu.memref_squeeze %dma_wait3A_28 : memref<1x2048xi32, #tpu.memory_space<hbm>> -> memref<2048xi32, #tpu.memory_space<hbm>>
      tpu.wait_dma2 semaphore(%run_scoped3A : memref<!tpu.dma_semaphore, #tpu.memory_space<semaphore_mem>>) src(%dma_wait3A_29 : memref<2048xi32, #tpu.memory_space<hbm>>) dst(%arg9 : memref<2048xi32, #tpu.memory_space<vmem>>)
      tpu.yield
    }) : () -> ()
    "tpu.region"() ({
      %run_scoped3A = tpu.sem_alloc : memref<!tpu.dma_semaphore, #tpu.memory_space<semaphore_mem>>
      %dma_start3A_18 = arith.constant 0 : i32
      %dma_start3A_19 = tpu.memref_slice %arg4[%add3A, %dma_start3A_18] : memref<32x2048xi32, #tpu.memory_space<hbm>> -> memref<1x2048xi32, #tpu.memory_space<hbm>>
      %dma_start3A_20 = tpu.memref_squeeze %dma_start3A_19 : memref<1x2048xi32, #tpu.memory_space<hbm>> -> memref<2048xi32, #tpu.memory_space<hbm>>
      %dma_start3A_21 = arith.constant 0 : i32
      %dma_start3A_22 = tpu.memref_slice %arg4[%add3A, %dma_start3A_21] : memref<32x2048xi32, #tpu.memory_space<hbm>> -> memref<1x2048xi32, #tpu.memory_space<hbm>>
      %dma_start3A_23 = tpu.memref_squeeze %dma_start3A_22 : memref<1x2048xi32, #tpu.memory_space<hbm>> -> memref<2048xi32, #tpu.memory_space<hbm>>
      tpu.enqueue_dma source(%dma_start3A_23 : memref<2048xi32, #tpu.memory_space<hbm>>) target(%arg10 : memref<2048xi32, #tpu.memory_space<vmem>>) target_semaphore(%run_scoped3A : memref<!tpu.dma_semaphore, #tpu.memory_space<semaphore_mem>>)
      %dma_wait3A_24 = arith.constant 0 : i32
      %dma_wait3A_25 = tpu.memref_slice %arg4[%add3A, %dma_wait3A_24] : memref<32x2048xi32, #tpu.memory_space<hbm>> -> memref<1x2048xi32, #tpu.memory_space<hbm>>
      %dma_wait3A_26 = tpu.memref_squeeze %dma_wait3A_25 : memref<1x2048xi32, #tpu.memory_space<hbm>> -> memref<2048xi32, #tpu.memory_space<hbm>>
      %dma_wait3A_27 = arith.constant 0 : i32
      %dma_wait3A_28 = tpu.memref_slice %arg4[%add3A, %dma_wait3A_27] : memref<32x2048xi32, #tpu.memory_space<hbm>> -> memref<1x2048xi32, #tpu.memory_space<hbm>>
      %dma_wait3A_29 = tpu.memref_squeeze %dma_wait3A_28 : memref<1x2048xi32, #tpu.memory_space<hbm>> -> memref<2048xi32, #tpu.memory_space<hbm>>
      tpu.wait_dma2 semaphore(%run_scoped3A : memref<!tpu.dma_semaphore, #tpu.memory_space<semaphore_mem>>) src(%dma_wait3A_29 : memref<2048xi32, #tpu.memory_space<hbm>>) dst(%arg10 : memref<2048xi32, #tpu.memory_space<vmem>>)
      tpu.yield
    }) : () -> ()
    %scan3A = arith.constant 0 : i32
    %scan3A_3 = arith.constant 128 : i32
    %scan3A_4 = arith.addi %scan3A, %scan3A_3 : i32
    %scan3A_5 = arith.constant 1 : i32
    scf.for %scan3A_18 = %scan3A to %scan3A_4 step %scan3A_5  : i32 {
      %mul3A_19 = arith.constant 1 : i32
      %mul3A_20 = arith.muli %scan3A_18, %mul3A_19 : i32
      %add3A_21 = arith.constant 0 : i32
      %add3A_22 = arith.addi %add3A_21, %mul3A_20 : i32
      %mul3A_23 = arith.constant 16 : i32
      %mul3A_24 = arith.muli %add3A_22, %mul3A_23 : i32
      %get3A = arith.index_cast %mul3A_24 : i32 to index
      %get3A_25 = tpu.vector_load %arg8[%get3A] {strides = array<i32>} : memref<2048xi32, #tpu.memory_space<vmem>>, vector<16xi32>,
      %get3A_26 = vector.shape_cast %get3A_25 : vector<16xi32> to vector<16xi32>
      %mul3A_27 = arith.constant 4096 : i32
      %mul3A_28 = vector.broadcast %mul3A_27 : i32 to vector<16xi32>
      %mul3A_29 = arith.muli %get3A_26, %mul3A_28 : vector<16xi32>
      %get3A_30 = arith.index_cast %mul3A_24 : i32 to index
      %get3A_31 = tpu.vector_load %arg9[%get3A_30] {strides = array<i32>} : memref<2048xi32, #tpu.memory_space<vmem>>, vector<16xi32>,
      %get3A_32 = vector.shape_cast %get3A_31 : vector<16xi32> to vector<16xi32>
      %add3A_33 = arith.addi %mul3A_29, %get3A_32 : vector<16xi32>
      %swap3A = arith.index_cast %mul3A_24 : i32 to index
      %swap3A_34 = tpu.vector_load %arg11[%swap3A] {strides = array<i32>} : memref<2048xi32, #tpu.memory_space<vmem>>, vector<16xi32>,
      %swap3A_35 = vector.shape_cast %swap3A_34 : vector<16xi32> to vector<16xi32>
      %swap3A_36 = vector.shape_cast %add3A_33 : vector<16xi32> to vector<16xi32>
      tpu.vector_store %arg11[%swap3A], %swap3A_36 {strides = array<i32>} : memref<2048xi32, #tpu.memory_space<vmem>>, vector<16xi32>,
    }
    %scan3A_6 = arith.constant 128 : i32
    %dma_start3A = arith.constant 0 : i32
    %dma_start3A_7 = tpu.memref_slice %arg13[%dma_start3A] : memref<1024xf32, #tpu.memory_space<vmem_shared>> -> memref<1024xf32, #tpu.memory_space<vmem_shared>>
    tpu.enqueue_indirect_dma source(%dma_start3A_7 : memref<1024xf32, #tpu.memory_space<vmem_shared>>) target(%arg12 : memref<2048xf32, #tpu.memory_space<vmem>>) offsets(%arg10 : memref<2048xi32, #tpu.memory_space<vmem>>) semaphore(%arg14 : memref<!tpu.dma_semaphore, #tpu.memory_space<semaphore_mem>>)
    %dma_wait3A = arith.constant 0 : i32
    %dma_wait3A_8 = tpu.memref_slice %arg13[%dma_wait3A] : memref<1024xf32, #tpu.memory_space<vmem_shared>> -> memref<1024xf32, #tpu.memory_space<vmem_shared>>
    tpu.wait_indirect_dma semaphore(%arg14 : memref<!tpu.dma_semaphore, #tpu.memory_space<semaphore_mem>>) src(%dma_wait3A_8 : memref<1024xf32, #tpu.memory_space<vmem_shared>>) dst(%arg12 : memref<2048xf32, #tpu.memory_space<vmem>>)
    %scan3A_9 = arith.constant 0 : i32
    %scan3A_10 = arith.constant 128 : i32
    %scan3A_11 = arith.addi %scan3A_9, %scan3A_10 : i32
    %scan3A_12 = arith.constant 1 : i32
    scf.for %scan3A_18 = %scan3A_9 to %scan3A_11 step %scan3A_12  : i32 {
      %mul3A_19 = arith.constant 1 : i32
      %mul3A_20 = arith.muli %scan3A_18, %mul3A_19 : i32
      %add3A_21 = arith.constant 0 : i32
      %add3A_22 = arith.addi %add3A_21, %mul3A_20 : i32
      %mul3A_23 = arith.constant 16 : i32
      %mul3A_24 = arith.muli %add3A_22, %mul3A_23 : i32
      %get3A = arith.index_cast %mul3A_24 : i32 to index
      %get3A_25 = tpu.vector_load %arg12[%get3A] {strides = array<i32>} : memref<2048xf32, #tpu.memory_space<vmem>>, vector<16xf32>,
      %get3A_26 = vector.shape_cast %get3A_25 : vector<16xf32> to vector<16xf32>
      %mul3A_27 = arith.constant -1.000000e+00 : f32
      %mul3A_28 = vector.broadcast %mul3A_27 : f32 to vector<16xf32>
      %mul3A_29 = arith.mulf %get3A_26, %mul3A_28 : vector<16xf32>
      %swap3A = arith.index_cast %mul3A_24 : i32 to index
      %swap3A_30 = tpu.vector_load %arg12[%swap3A] {strides = array<i32>} : memref<2048xf32, #tpu.memory_space<vmem>>, vector<16xf32>,
      %swap3A_31 = vector.shape_cast %swap3A_30 : vector<16xf32> to vector<16xf32>
      %swap3A_32 = vector.shape_cast %mul3A_29 : vector<16xf32> to vector<16xf32>
      tpu.vector_store %arg12[%swap3A], %swap3A_32 {strides = array<i32>} : memref<2048xf32, #tpu.memory_space<vmem>>, vector<16xf32>,
    }
    %scan3A_13 = arith.constant 128 : i32
    %dma_start3A_14 = arith.constant 0 : i32
    %dma_start3A_15 = tpu.memref_slice %arg6[%dma_start3A_14] : memref<16908288xf32, #tpu.memory_space<hbm>> -> memref<16908288xf32, #tpu.memory_space<hbm>>
    tpu.enqueue_indirect_dma source(%arg12 : memref<2048xf32, #tpu.memory_space<vmem>>) target(%dma_start3A_15 : memref<16908288xf32, #tpu.memory_space<hbm>>) offsets(%arg11 : memref<2048xi32, #tpu.memory_space<vmem>>) semaphore(%arg14 : memref<!tpu.dma_semaphore, #tpu.memory_space<semaphore_mem>>)
    %dma_wait3A_16 = arith.constant 0 : i32
    %dma_wait3A_17 = tpu.memref_slice %arg6[%dma_wait3A_16] : memref<16908288xf32, #tpu.memory_space<hbm>> -> memref<16908288xf32, #tpu.memory_space<hbm>>
    tpu.wait_indirect_dma semaphore(%arg14 : memref<!tpu.dma_semaphore, #tpu.memory_space<semaphore_mem>>) src(%arg12 : memref<2048xf32, #tpu.memory_space<vmem>>) dst(%dma_wait3A_17 : memref<16908288xf32, #tpu.memory_space<hbm>>)
    return
  }
}

#map = affine_map<(d0, d1) -> (0, 0)>
#map1 = affine_map<(d0, d1) -> (0)>
module attributes {stable_mosaic.version = 14 : i64} {
  func.func @new_body(%arg0: i32, %arg1: i32, %arg2: memref<32x2048xi32, #tpu.memory_space<hbm>>, %arg3: memref<32x2048xi32, #tpu.memory_space<hbm>>, %arg4: memref<32x2048xi32, #tpu.memory_space<hbm>>, %arg5: memref<1024xf32, #tpu.memory_space<hbm>>, %arg6: memref<16908288xf32, #tpu.memory_space<hbm>>, %arg7: memref<32x4096xi32, #tpu.memory_space<hbm>>, %arg8: memref<32x4096xf32, #tpu.memory_space<hbm>>, %arg9: memref<16908288xf32, #tpu.memory_space<hbm>>, %arg10: memref<32x4096xi32, #tpu.memory_space<hbm>>, %arg11: memref<32x4096xf32, #tpu.memory_space<hbm>>, %arg12: memref<4096xi32, #tpu.memory_space<vmem>>, %arg13: memref<4096xf32, #tpu.memory_space<vmem>>, %arg14: memref<4096xf32, #tpu.memory_space<vmem>>, %arg15: memref<4096xi32, #tpu.memory_space<vmem>>, %arg16: memref<4096xf32, #tpu.memory_space<vmem>>, %arg17: memref<2048xi32, #tpu.memory_space<vmem>>, %arg18: memref<2048xi32, #tpu.memory_space<vmem>>, %arg19: memref<2048xi32, #tpu.memory_space<vmem>>, %arg20: memref<1024xf32, #tpu.memory_space<vmem_shared>>, %arg21: memref<!tpu.dma_semaphore, #tpu.memory_space<semaphore_mem>>, %arg22: memref<!tpu.dma_semaphore, #tpu.memory_space<semaphore_mem>>, %arg23: memref<!tpu.dma_semaphore, #tpu.memory_space<semaphore_mem>>, %arg24: memref<!tpu.dma_semaphore, #tpu.memory_space<semaphore_mem>>) attributes {dimension_semantics = [#tpu.dimension_semantics<core_parallel>, #tpu.dimension_semantics<subcore_parallel>], iteration_bounds = array<i64: 2, 16>, scalar_prefetch = 0 : i64, scratch_operands = 13 : i64, tpu.core_type = #tpu.core_type<sc_vector_subcore>, window_params = [{transform_indices = #map}, {transform_indices = #map}, {transform_indices = #map}, {transform_indices = #map1}, {transform_indices = #map1}, {transform_indices = #map}, {transform_indices = #map}, {transform_indices = #map1}, {transform_indices = #map}, {transform_indices = #map}]} {
    %mul3A = arith.constant 2 : i32
    %mul3A_0 = arith.muli %arg1, %mul3A : i32
    %add3A = arith.addi %mul3A_0, %arg0 : i32
    %eq3A = arith.constant 0 : i32
    %eq3A_1 = arith.cmpi eq, %arg1, %eq3A : i32
    %convert_element_type3A = arith.extui %eq3A_1 : i1 to i32
    %cond3A = arith.constant 0 : i32
    %cond3A_2 = arith.cmpi ne, %convert_element_type3A, %cond3A : i32
    scf.if %cond3A_2 {
      "tpu.region"() ({
        %run_scoped3A = tpu.sem_alloc : memref<!tpu.dma_semaphore, #tpu.memory_space<semaphore_mem>>
        tpu.enqueue_dma source(%arg5 : memref<1024xf32, #tpu.memory_space<hbm>>) target(%arg20 : memref<1024xf32, #tpu.memory_space<vmem_shared>>) target_semaphore(%run_scoped3A : memref<!tpu.dma_semaphore, #tpu.memory_space<semaphore_mem>>)
        tpu.wait_dma2 semaphore(%run_scoped3A : memref<!tpu.dma_semaphore, #tpu.memory_space<semaphore_mem>>) src(%arg5 : memref<1024xf32, #tpu.memory_space<hbm>>) dst(%arg20 : memref<1024xf32, #tpu.memory_space<vmem_shared>>)
        tpu.yield
      }) : () -> ()
    } else {
    }
    %barrier3A = arith.constant 0 : index
    tpu.barrier barrier_id(%barrier3A)
    "tpu.region"() ({
      %run_scoped3A = tpu.sem_alloc : memref<!tpu.dma_semaphore, #tpu.memory_space<semaphore_mem>>
      %dma_start3A_75 = arith.constant 0 : i32
      %dma_start3A_76 = tpu.memref_slice %arg2[%add3A, %dma_start3A_75] : memref<32x2048xi32, #tpu.memory_space<hbm>> -> memref<1x2048xi32, #tpu.memory_space<hbm>>
      %dma_start3A_77 = tpu.memref_squeeze %dma_start3A_76 : memref<1x2048xi32, #tpu.memory_space<hbm>> -> memref<2048xi32, #tpu.memory_space<hbm>>
      %dma_start3A_78 = arith.constant 0 : i32
      %dma_start3A_79 = tpu.memref_slice %arg2[%add3A, %dma_start3A_78] : memref<32x2048xi32, #tpu.memory_space<hbm>> -> memref<1x2048xi32, #tpu.memory_space<hbm>>
      %dma_start3A_80 = tpu.memref_squeeze %dma_start3A_79 : memref<1x2048xi32, #tpu.memory_space<hbm>> -> memref<2048xi32, #tpu.memory_space<hbm>>
      tpu.enqueue_dma source(%dma_start3A_80 : memref<2048xi32, #tpu.memory_space<hbm>>) target(%arg17 : memref<2048xi32, #tpu.memory_space<vmem>>) target_semaphore(%run_scoped3A : memref<!tpu.dma_semaphore, #tpu.memory_space<semaphore_mem>>)
      %dma_wait3A_81 = arith.constant 0 : i32
      %dma_wait3A_82 = tpu.memref_slice %arg2[%add3A, %dma_wait3A_81] : memref<32x2048xi32, #tpu.memory_space<hbm>> -> memref<1x2048xi32, #tpu.memory_space<hbm>>
      %dma_wait3A_83 = tpu.memref_squeeze %dma_wait3A_82 : memref<1x2048xi32, #tpu.memory_space<hbm>> -> memref<2048xi32, #tpu.memory_space<hbm>>
      %dma_wait3A_84 = arith.constant 0 : i32
      %dma_wait3A_85 = tpu.memref_slice %arg2[%add3A, %dma_wait3A_84] : memref<32x2048xi32, #tpu.memory_space<hbm>> -> memref<1x2048xi32, #tpu.memory_space<hbm>>
      %dma_wait3A_86 = tpu.memref_squeeze %dma_wait3A_85 : memref<1x2048xi32, #tpu.memory_space<hbm>> -> memref<2048xi32, #tpu.memory_space<hbm>>
      tpu.wait_dma2 semaphore(%run_scoped3A : memref<!tpu.dma_semaphore, #tpu.memory_space<semaphore_mem>>) src(%dma_wait3A_86 : memref<2048xi32, #tpu.memory_space<hbm>>) dst(%arg17 : memref<2048xi32, #tpu.memory_space<vmem>>)
      tpu.yield
    }) : () -> ()
    "tpu.region"() ({
      %run_scoped3A = tpu.sem_alloc : memref<!tpu.dma_semaphore, #tpu.memory_space<semaphore_mem>>
      %dma_start3A_75 = arith.constant 0 : i32
      %dma_start3A_76 = tpu.memref_slice %arg3[%add3A, %dma_start3A_75] : memref<32x2048xi32, #tpu.memory_space<hbm>> -> memref<1x2048xi32, #tpu.memory_space<hbm>>
      %dma_start3A_77 = tpu.memref_squeeze %dma_start3A_76 : memref<1x2048xi32, #tpu.memory_space<hbm>> -> memref<2048xi32, #tpu.memory_space<hbm>>
      %dma_start3A_78 = arith.constant 0 : i32
      %dma_start3A_79 = tpu.memref_slice %arg3[%add3A, %dma_start3A_78] : memref<32x2048xi32, #tpu.memory_space<hbm>> -> memref<1x2048xi32, #tpu.memory_space<hbm>>
      %dma_start3A_80 = tpu.memref_squeeze %dma_start3A_79 : memref<1x2048xi32, #tpu.memory_space<hbm>> -> memref<2048xi32, #tpu.memory_space<hbm>>
      tpu.enqueue_dma source(%dma_start3A_80 : memref<2048xi32, #tpu.memory_space<hbm>>) target(%arg18 : memref<2048xi32, #tpu.memory_space<vmem>>) target_semaphore(%run_scoped3A : memref<!tpu.dma_semaphore, #tpu.memory_space<semaphore_mem>>)
      %dma_wait3A_81 = arith.constant 0 : i32
      %dma_wait3A_82 = tpu.memref_slice %arg3[%add3A, %dma_wait3A_81] : memref<32x2048xi32, #tpu.memory_space<hbm>> -> memref<1x2048xi32, #tpu.memory_space<hbm>>
      %dma_wait3A_83 = tpu.memref_squeeze %dma_wait3A_82 : memref<1x2048xi32, #tpu.memory_space<hbm>> -> memref<2048xi32, #tpu.memory_space<hbm>>
      %dma_wait3A_84 = arith.constant 0 : i32
      %dma_wait3A_85 = tpu.memref_slice %arg3[%add3A, %dma_wait3A_84] : memref<32x2048xi32, #tpu.memory_space<hbm>> -> memref<1x2048xi32, #tpu.memory_space<hbm>>
      %dma_wait3A_86 = tpu.memref_squeeze %dma_wait3A_85 : memref<1x2048xi32, #tpu.memory_space<hbm>> -> memref<2048xi32, #tpu.memory_space<hbm>>
      tpu.wait_dma2 semaphore(%run_scoped3A : memref<!tpu.dma_semaphore, #tpu.memory_space<semaphore_mem>>) src(%dma_wait3A_86 : memref<2048xi32, #tpu.memory_space<hbm>>) dst(%arg18 : memref<2048xi32, #tpu.memory_space<vmem>>)
      tpu.yield
    }) : () -> ()
    "tpu.region"() ({
      %run_scoped3A = tpu.sem_alloc : memref<!tpu.dma_semaphore, #tpu.memory_space<semaphore_mem>>
      %dma_start3A_75 = arith.constant 0 : i32
      %dma_start3A_76 = tpu.memref_slice %arg4[%add3A, %dma_start3A_75] : memref<32x2048xi32, #tpu.memory_space<hbm>> -> memref<1x2048xi32, #tpu.memory_space<hbm>>
      %dma_start3A_77 = tpu.memref_squeeze %dma_start3A_76 : memref<1x2048xi32, #tpu.memory_space<hbm>> -> memref<2048xi32, #tpu.memory_space<hbm>>
      %dma_start3A_78 = arith.constant 0 : i32
      %dma_start3A_79 = tpu.memref_slice %arg4[%add3A, %dma_start3A_78] : memref<32x2048xi32, #tpu.memory_space<hbm>> -> memref<1x2048xi32, #tpu.memory_space<hbm>>
      %dma_start3A_80 = tpu.memref_squeeze %dma_start3A_79 : memref<1x2048xi32, #tpu.memory_space<hbm>> -> memref<2048xi32, #tpu.memory_space<hbm>>
      tpu.enqueue_dma source(%dma_start3A_80 : memref<2048xi32, #tpu.memory_space<hbm>>) target(%arg19 : memref<2048xi32, #tpu.memory_space<vmem>>) target_semaphore(%run_scoped3A : memref<!tpu.dma_semaphore, #tpu.memory_space<semaphore_mem>>)
      %dma_wait3A_81 = arith.constant 0 : i32
      %dma_wait3A_82 = tpu.memref_slice %arg4[%add3A, %dma_wait3A_81] : memref<32x2048xi32, #tpu.memory_space<hbm>> -> memref<1x2048xi32, #tpu.memory_space<hbm>>
      %dma_wait3A_83 = tpu.memref_squeeze %dma_wait3A_82 : memref<1x2048xi32, #tpu.memory_space<hbm>> -> memref<2048xi32, #tpu.memory_space<hbm>>
      %dma_wait3A_84 = arith.constant 0 : i32
      %dma_wait3A_85 = tpu.memref_slice %arg4[%add3A, %dma_wait3A_84] : memref<32x2048xi32, #tpu.memory_space<hbm>> -> memref<1x2048xi32, #tpu.memory_space<hbm>>
      %dma_wait3A_86 = tpu.memref_squeeze %dma_wait3A_85 : memref<1x2048xi32, #tpu.memory_space<hbm>> -> memref<2048xi32, #tpu.memory_space<hbm>>
      tpu.wait_dma2 semaphore(%run_scoped3A : memref<!tpu.dma_semaphore, #tpu.memory_space<semaphore_mem>>) src(%dma_wait3A_86 : memref<2048xi32, #tpu.memory_space<hbm>>) dst(%arg19 : memref<2048xi32, #tpu.memory_space<vmem>>)
      tpu.yield
    }) : () -> ()
    %scan3A = arith.constant 0 : i32
    %scan3A_3 = arith.constant 128 : i32
    %scan3A_4 = arith.addi %scan3A, %scan3A_3 : i32
    %scan3A_5 = arith.constant 1 : i32
    scf.for %scan3A_75 = %scan3A to %scan3A_4 step %scan3A_5  : i32 {
      %mul3A_76 = arith.constant 1 : i32
      %mul3A_77 = arith.muli %scan3A_75, %mul3A_76 : i32
      %add3A_78 = arith.constant 0 : i32
      %add3A_79 = arith.addi %add3A_78, %mul3A_77 : i32
      %mul3A_80 = arith.constant 16 : i32
      %mul3A_81 = arith.muli %add3A_79, %mul3A_80 : i32
      %mul3A_82 = arith.constant 16 : i32
      %mul3A_83 = arith.muli %add3A_79, %mul3A_82 : i32
      %add3A_84 = arith.constant 2048 : i32
      %add3A_85 = arith.addi %add3A_84, %mul3A_83 : i32
      %get3A = arith.index_cast %mul3A_81 : i32 to index
      %get3A_86 = tpu.vector_load %arg17[%get3A] {strides = array<i32>} : memref<2048xi32, #tpu.memory_space<vmem>>, vector<16xi32>,
      %get3A_87 = vector.shape_cast %get3A_86 : vector<16xi32> to vector<16xi32>
      %mul3A_88 = arith.constant 4096 : i32
      %mul3A_89 = vector.broadcast %mul3A_88 : i32 to vector<16xi32>
      %mul3A_90 = arith.muli %get3A_87, %mul3A_89 : vector<16xi32>
      %get3A_91 = arith.index_cast %mul3A_81 : i32 to index
      %get3A_92 = tpu.vector_load %arg18[%get3A_91] {strides = array<i32>} : memref<2048xi32, #tpu.memory_space<vmem>>, vector<16xi32>,
      %get3A_93 = vector.shape_cast %get3A_92 : vector<16xi32> to vector<16xi32>
      %add3A_94 = arith.addi %mul3A_90, %get3A_93 : vector<16xi32>
      %swap3A = arith.index_cast %mul3A_81 : i32 to index
      %swap3A_95 = tpu.vector_load %arg12[%swap3A] {strides = array<i32>} : memref<4096xi32, #tpu.memory_space<vmem>>, vector<16xi32>,
      %swap3A_96 = vector.shape_cast %swap3A_95 : vector<16xi32> to vector<16xi32>
      %swap3A_97 = vector.shape_cast %add3A_94 : vector<16xi32> to vector<16xi32>
      tpu.vector_store %arg12[%swap3A], %swap3A_97 {strides = array<i32>} : memref<4096xi32, #tpu.memory_space<vmem>>, vector<16xi32>,
      %get3A_98 = arith.index_cast %mul3A_81 : i32 to index
      %get3A_99 = tpu.vector_load %arg18[%get3A_98] {strides = array<i32>} : memref<2048xi32, #tpu.memory_space<vmem>>, vector<16xi32>,
      %get3A_100 = vector.shape_cast %get3A_99 : vector<16xi32> to vector<16xi32>
      %mul3A_101 = arith.constant 4096 : i32
      %mul3A_102 = vector.broadcast %mul3A_101 : i32 to vector<16xi32>
      %mul3A_103 = arith.muli %get3A_100, %mul3A_102 : vector<16xi32>
      %get3A_104 = arith.index_cast %mul3A_81 : i32 to index
      %get3A_105 = tpu.vector_load %arg17[%get3A_104] {strides = array<i32>} : memref<2048xi32, #tpu.memory_space<vmem>>, vector<16xi32>,
      %get3A_106 = vector.shape_cast %get3A_105 : vector<16xi32> to vector<16xi32>
      %add3A_107 = arith.addi %mul3A_103, %get3A_106 : vector<16xi32>
      %swap3A_108 = arith.index_cast %add3A_85 : i32 to index
      %swap3A_109 = tpu.vector_load %arg12[%swap3A_108] {strides = array<i32>} : memref<4096xi32, #tpu.memory_space<vmem>>, vector<16xi32>,
      %swap3A_110 = vector.shape_cast %swap3A_109 : vector<16xi32> to vector<16xi32>
      %swap3A_111 = vector.shape_cast %add3A_107 : vector<16xi32> to vector<16xi32>
      tpu.vector_store %arg12[%swap3A_108], %swap3A_111 {strides = array<i32>} : memref<4096xi32, #tpu.memory_space<vmem>>, vector<16xi32>,
    }
    %scan3A_6 = arith.constant 128 : i32
    %dma_start3A = arith.constant 0 : i32
    %dma_start3A_7 = tpu.memref_slice %arg14[%dma_start3A] : memref<4096xf32, #tpu.memory_space<vmem>> -> memref<2048xf32, #tpu.memory_space<vmem>>
    %dma_start3A_8 = arith.constant 0 : i32
    %dma_start3A_9 = tpu.memref_slice %arg20[%dma_start3A_8] : memref<1024xf32, #tpu.memory_space<vmem_shared>> -> memref<1024xf32, #tpu.memory_space<vmem_shared>>
    tpu.enqueue_indirect_dma source(%dma_start3A_9 : memref<1024xf32, #tpu.memory_space<vmem_shared>>) target(%dma_start3A_7 : memref<2048xf32, #tpu.memory_space<vmem>>) offsets(%arg19 : memref<2048xi32, #tpu.memory_space<vmem>>) semaphore(%arg21 : memref<!tpu.dma_semaphore, #tpu.memory_space<semaphore_mem>>)
    %dma_wait3A = arith.constant 0 : i32
    %dma_wait3A_10 = tpu.memref_slice %arg14[%dma_wait3A] : memref<4096xf32, #tpu.memory_space<vmem>> -> memref<2048xf32, #tpu.memory_space<vmem>>
    %dma_wait3A_11 = arith.constant 0 : i32
    %dma_wait3A_12 = tpu.memref_slice %arg20[%dma_wait3A_11] : memref<1024xf32, #tpu.memory_space<vmem_shared>> -> memref<1024xf32, #tpu.memory_space<vmem_shared>>
    tpu.wait_indirect_dma semaphore(%arg21 : memref<!tpu.dma_semaphore, #tpu.memory_space<semaphore_mem>>) src(%dma_wait3A_12 : memref<1024xf32, #tpu.memory_space<vmem_shared>>) dst(%dma_wait3A_10 : memref<2048xf32, #tpu.memory_space<vmem>>)
    %scan3A_13 = arith.constant 0 : i32
    %scan3A_14 = arith.constant 128 : i32
    %scan3A_15 = arith.addi %scan3A_13, %scan3A_14 : i32
    %scan3A_16 = arith.constant 1 : i32
    scf.for %scan3A_75 = %scan3A_13 to %scan3A_15 step %scan3A_16  : i32 {
      %mul3A_76 = arith.constant 1 : i32
      %mul3A_77 = arith.muli %scan3A_75, %mul3A_76 : i32
      %add3A_78 = arith.constant 0 : i32
      %add3A_79 = arith.addi %add3A_78, %mul3A_77 : i32
      %mul3A_80 = arith.constant 16 : i32
      %mul3A_81 = arith.muli %add3A_79, %mul3A_80 : i32
      %mul3A_82 = arith.constant 16 : i32
      %mul3A_83 = arith.muli %add3A_79, %mul3A_82 : i32
      %add3A_84 = arith.constant 2048 : i32
      %add3A_85 = arith.addi %add3A_84, %mul3A_83 : i32
      %get3A = arith.index_cast %mul3A_81 : i32 to index
      %get3A_86 = tpu.vector_load %arg14[%get3A] {strides = array<i32>} : memref<4096xf32, #tpu.memory_space<vmem>>, vector<16xf32>,
      %get3A_87 = vector.shape_cast %get3A_86 : vector<16xf32> to vector<16xf32>
      %neg3A = arith.constant 0.000000e+00 : f32
      %neg3A_88 = vector.broadcast %neg3A : f32 to vector<16xf32>
      %neg3A_89 = arith.subf %neg3A_88, %get3A_87 : vector<16xf32>
      %swap3A = arith.index_cast %mul3A_81 : i32 to index
      %swap3A_90 = tpu.vector_load %arg13[%swap3A] {strides = array<i32>} : memref<4096xf32, #tpu.memory_space<vmem>>, vector<16xf32>,
      %swap3A_91 = vector.shape_cast %swap3A_90 : vector<16xf32> to vector<16xf32>
      %swap3A_92 = vector.shape_cast %neg3A_89 : vector<16xf32> to vector<16xf32>
      tpu.vector_store %arg13[%swap3A], %swap3A_92 {strides = array<i32>} : memref<4096xf32, #tpu.memory_space<vmem>>, vector<16xf32>,
      %swap3A_93 = arith.index_cast %add3A_85 : i32 to index
      %swap3A_94 = tpu.vector_load %arg13[%swap3A_93] {strides = array<i32>} : memref<4096xf32, #tpu.memory_space<vmem>>, vector<16xf32>,
      %swap3A_95 = vector.shape_cast %swap3A_94 : vector<16xf32> to vector<16xf32>
      %swap3A_96 = vector.shape_cast %get3A_87 : vector<16xf32> to vector<16xf32>
      tpu.vector_store %arg13[%swap3A_93], %swap3A_96 {strides = array<i32>} : memref<4096xf32, #tpu.memory_space<vmem>>, vector<16xf32>,
    }
    %scan3A_17 = arith.constant 128 : i32
    %dma_start3A_18 = arith.constant 0 : i32
    %dma_start3A_19 = tpu.memref_slice %arg14[%dma_start3A_18] : memref<4096xf32, #tpu.memory_space<vmem>> -> memref<1024xf32, #tpu.memory_space<vmem>>
    %dma_start3A_20 = arith.constant 0 : i32
    %dma_start3A_21 = tpu.memref_slice %arg12[%dma_start3A_20] : memref<4096xi32, #tpu.memory_space<vmem>> -> memref<1024xi32, #tpu.memory_space<vmem>>
    %dma_start3A_22 = arith.constant 0 : i32
    %dma_start3A_23 = tpu.memref_slice %arg6[%dma_start3A_22] : memref<16908288xf32, #tpu.memory_space<hbm>> -> memref<16908288xf32, #tpu.memory_space<hbm>>
    tpu.enqueue_indirect_dma source(%dma_start3A_23 : memref<16908288xf32, #tpu.memory_space<hbm>>) target(%dma_start3A_19 : memref<1024xf32, #tpu.memory_space<vmem>>) offsets(%dma_start3A_21 : memref<1024xi32, #tpu.memory_space<vmem>>) semaphore(%arg21 : memref<!tpu.dma_semaphore, #tpu.memory_space<semaphore_mem>>)
    %dma_start3A_24 = arith.constant 1024 : i32
    %dma_start3A_25 = tpu.memref_slice %arg14[%dma_start3A_24] : memref<4096xf32, #tpu.memory_space<vmem>> -> memref<1024xf32, #tpu.memory_space<vmem>>
    %dma_start3A_26 = arith.constant 1024 : i32
    %dma_start3A_27 = tpu.memref_slice %arg12[%dma_start3A_26] : memref<4096xi32, #tpu.memory_space<vmem>> -> memref<1024xi32, #tpu.memory_space<vmem>>
    %dma_start3A_28 = arith.constant 0 : i32
    %dma_start3A_29 = tpu.memref_slice %arg6[%dma_start3A_28] : memref<16908288xf32, #tpu.memory_space<hbm>> -> memref<16908288xf32, #tpu.memory_space<hbm>>
    tpu.enqueue_indirect_dma source(%dma_start3A_29 : memref<16908288xf32, #tpu.memory_space<hbm>>) target(%dma_start3A_25 : memref<1024xf32, #tpu.memory_space<vmem>>) offsets(%dma_start3A_27 : memref<1024xi32, #tpu.memory_space<vmem>>) semaphore(%arg22 : memref<!tpu.dma_semaphore, #tpu.memory_space<semaphore_mem>>)
    %dma_start3A_30 = arith.constant 2048 : i32
    %dma_start3A_31 = tpu.memref_slice %arg14[%dma_start3A_30] : memref<4096xf32, #tpu.memory_space<vmem>> -> memref<1024xf32, #tpu.memory_space<vmem>>
    %dma_start3A_32 = arith.constant 2048 : i32
    %dma_start3A_33 = tpu.memref_slice %arg12[%dma_start3A_32] : memref<4096xi32, #tpu.memory_space<vmem>> -> memref<1024xi32, #tpu.memory_space<vmem>>
    %dma_start3A_34 = arith.constant 0 : i32
    %dma_start3A_35 = tpu.memref_slice %arg6[%dma_start3A_34] : memref<16908288xf32, #tpu.memory_space<hbm>> -> memref<16908288xf32, #tpu.memory_space<hbm>>
    tpu.enqueue_indirect_dma source(%dma_start3A_35 : memref<16908288xf32, #tpu.memory_space<hbm>>) target(%dma_start3A_31 : memref<1024xf32, #tpu.memory_space<vmem>>) offsets(%dma_start3A_33 : memref<1024xi32, #tpu.memory_space<vmem>>) semaphore(%arg23 : memref<!tpu.dma_semaphore, #tpu.memory_space<semaphore_mem>>)
    %dma_start3A_36 = arith.constant 3072 : i32
    %dma_start3A_37 = tpu.memref_slice %arg14[%dma_start3A_36] : memref<4096xf32, #tpu.memory_space<vmem>> -> memref<1024xf32, #tpu.memory_space<vmem>>
    %dma_start3A_38 = arith.constant 3072 : i32
    %dma_start3A_39 = tpu.memref_slice %arg12[%dma_start3A_38] : memref<4096xi32, #tpu.memory_space<vmem>> -> memref<1024xi32, #tpu.memory_space<vmem>>
    %dma_start3A_40 = arith.constant 0 : i32
    %dma_start3A_41 = tpu.memref_slice %arg6[%dma_start3A_40] : memref<16908288xf32, #tpu.memory_space<hbm>> -> memref<16908288xf32, #tpu.memory_space<hbm>>
    tpu.enqueue_indirect_dma source(%dma_start3A_41 : memref<16908288xf32, #tpu.memory_space<hbm>>) target(%dma_start3A_37 : memref<1024xf32, #tpu.memory_space<vmem>>) offsets(%dma_start3A_39 : memref<1024xi32, #tpu.memory_space<vmem>>) semaphore(%arg24 : memref<!tpu.dma_semaphore, #tpu.memory_space<semaphore_mem>>)
    %dma_wait3A_42 = arith.constant 0 : i32
    %dma_wait3A_43 = tpu.memref_slice %arg14[%dma_wait3A_42] : memref<4096xf32, #tpu.memory_space<vmem>> -> memref<1024xf32, #tpu.memory_space<vmem>>
    %dma_wait3A_44 = arith.constant 0 : i32
    %dma_wait3A_45 = tpu.memref_slice %arg12[%dma_wait3A_44] : memref<4096xi32, #tpu.memory_space<vmem>> -> memref<1024xi32, #tpu.memory_space<vmem>>
    %dma_wait3A_46 = arith.constant 0 : i32
    %dma_wait3A_47 = tpu.memref_slice %arg6[%dma_wait3A_46] : memref<16908288xf32, #tpu.memory_space<hbm>> -> memref<16908288xf32, #tpu.memory_space<hbm>>
    tpu.wait_indirect_dma semaphore(%arg21 : memref<!tpu.dma_semaphore, #tpu.memory_space<semaphore_mem>>) src(%dma_wait3A_47 : memref<16908288xf32, #tpu.memory_space<hbm>>) dst(%dma_wait3A_43 : memref<1024xf32, #tpu.memory_space<vmem>>)
    %dma_wait3A_48 = arith.constant 1024 : i32
    %dma_wait3A_49 = tpu.memref_slice %arg14[%dma_wait3A_48] : memref<4096xf32, #tpu.memory_space<vmem>> -> memref<1024xf32, #tpu.memory_space<vmem>>
    %dma_wait3A_50 = arith.constant 1024 : i32
    %dma_wait3A_51 = tpu.memref_slice %arg12[%dma_wait3A_50] : memref<4096xi32, #tpu.memory_space<vmem>> -> memref<1024xi32, #tpu.memory_space<vmem>>
    %dma_wait3A_52 = arith.constant 0 : i32
    %dma_wait3A_53 = tpu.memref_slice %arg6[%dma_wait3A_52] : memref<16908288xf32, #tpu.memory_space<hbm>> -> memref<16908288xf32, #tpu.memory_space<hbm>>
    tpu.wait_indirect_dma semaphore(%arg22 : memref<!tpu.dma_semaphore, #tpu.memory_space<semaphore_mem>>) src(%dma_wait3A_53 : memref<16908288xf32, #tpu.memory_space<hbm>>) dst(%dma_wait3A_49 : memref<1024xf32, #tpu.memory_space<vmem>>)
    %dma_wait3A_54 = arith.constant 2048 : i32
    %dma_wait3A_55 = tpu.memref_slice %arg14[%dma_wait3A_54] : memref<4096xf32, #tpu.memory_space<vmem>> -> memref<1024xf32, #tpu.memory_space<vmem>>
    %dma_wait3A_56 = arith.constant 2048 : i32
    %dma_wait3A_57 = tpu.memref_slice %arg12[%dma_wait3A_56] : memref<4096xi32, #tpu.memory_space<vmem>> -> memref<1024xi32, #tpu.memory_space<vmem>>
    %dma_wait3A_58 = arith.constant 0 : i32
    %dma_wait3A_59 = tpu.memref_slice %arg6[%dma_wait3A_58] : memref<16908288xf32, #tpu.memory_space<hbm>> -> memref<16908288xf32, #tpu.memory_space<hbm>>
    tpu.wait_indirect_dma semaphore(%arg23 : memref<!tpu.dma_semaphore, #tpu.memory_space<semaphore_mem>>) src(%dma_wait3A_59 : memref<16908288xf32, #tpu.memory_space<hbm>>) dst(%dma_wait3A_55 : memref<1024xf32, #tpu.memory_space<vmem>>)
    %dma_wait3A_60 = arith.constant 3072 : i32
    %dma_wait3A_61 = tpu.memref_slice %arg14[%dma_wait3A_60] : memref<4096xf32, #tpu.memory_space<vmem>> -> memref<1024xf32, #tpu.memory_space<vmem>>
    %dma_wait3A_62 = arith.constant 3072 : i32
    %dma_wait3A_63 = tpu.memref_slice %arg12[%dma_wait3A_62] : memref<4096xi32, #tpu.memory_space<vmem>> -> memref<1024xi32, #tpu.memory_space<vmem>>
    %dma_wait3A_64 = arith.constant 0 : i32
    %dma_wait3A_65 = tpu.memref_slice %arg6[%dma_wait3A_64] : memref<16908288xf32, #tpu.memory_space<hbm>> -> memref<16908288xf32, #tpu.memory_space<hbm>>
    tpu.wait_indirect_dma semaphore(%arg24 : memref<!tpu.dma_semaphore, #tpu.memory_space<semaphore_mem>>) src(%dma_wait3A_65 : memref<16908288xf32, #tpu.memory_space<hbm>>) dst(%dma_wait3A_61 : memref<1024xf32, #tpu.memory_space<vmem>>)
    %iota3A = tpu.iota {dimensions = array<i32: 0>} : vector<16xi32>
    %mul3A_66 = arith.constant 4096 : i32
    %mul3A_67 = arith.muli %add3A, %mul3A_66 : i32
    %add3A_68 = arith.constant 16777216 : i32
    %add3A_69 = arith.addi %add3A_68, %mul3A_67 : i32
    %scan3A_70 = arith.constant 0 : i32
    %scan3A_71 = arith.constant 256 : i32
    %scan3A_72 = arith.addi %scan3A_70, %scan3A_71 : i32
    %scan3A_73 = arith.constant 1 : i32
    scf.for %scan3A_75 = %scan3A_70 to %scan3A_72 step %scan3A_73  : i32 {
      %mul3A_76 = arith.constant 1 : i32
      %mul3A_77 = arith.muli %scan3A_75, %mul3A_76 : i32
      %add3A_78 = arith.constant 0 : i32
      %add3A_79 = arith.addi %add3A_78, %mul3A_77 : i32
      %mul3A_80 = arith.constant 16 : i32
      %mul3A_81 = arith.muli %add3A_79, %mul3A_80 : i32
      %get3A = arith.index_cast %mul3A_81 : i32 to index
      %get3A_82 = tpu.vector_load %arg14[%get3A] {strides = array<i32>} : memref<4096xf32, #tpu.memory_space<vmem>>, vector<16xf32>,
      %get3A_83 = vector.shape_cast %get3A_82 : vector<16xf32> to vector<16xf32>
      %get3A_84 = arith.index_cast %mul3A_81 : i32 to index
      %get3A_85 = tpu.vector_load %arg13[%get3A_84] {strides = array<i32>} : memref<4096xf32, #tpu.memory_space<vmem>>, vector<16xf32>,
      %get3A_86 = vector.shape_cast %get3A_85 : vector<16xf32> to vector<16xf32>
      %lt3A = arith.constant 0.000000e+00 : f32
      %lt3A_87 = vector.broadcast %lt3A : f32 to vector<16xf32>
      %lt3A_88 = arith.cmpf olt, %get3A_86, %lt3A_87 : vector<16xf32>
      %lt3A_89 = arith.constant 0.000000e+00 : f32
      %lt3A_90 = vector.broadcast %lt3A_89 : f32 to vector<16xf32>
      %lt3A_91 = arith.cmpf olt, %get3A_83, %lt3A_90 : vector<16xf32>
      %gt3A = arith.constant 0.000000e+00 : f32
      %gt3A_92 = vector.broadcast %gt3A : f32 to vector<16xf32>
      %gt3A_93 = arith.cmpf ogt, %get3A_83, %gt3A_92 : vector<16xf32>
      %select_n3A = arith.select %lt3A_88, %lt3A_91, %gt3A_93 : vector<16xi1>, vector<16xi1>
      %ne3A = arith.cmpf one, %get3A_83, %get3A_86 : vector<16xf32>
      %and3A = arith.andi %select_n3A, %ne3A : vector<16xi1>
      %get3A_94 = arith.index_cast %mul3A_81 : i32 to index
      %get3A_95 = tpu.vector_load %arg12[%get3A_94] {strides = array<i32>} : memref<4096xi32, #tpu.memory_space<vmem>>, vector<16xi32>,
      %get3A_96 = vector.shape_cast %get3A_95 : vector<16xi32> to vector<16xi32>
      %mul3A_97 = arith.constant 16 : i32
      %mul3A_98 = arith.muli %add3A_79, %mul3A_97 : i32
      %add3A_99 = arith.addi %add3A_69, %mul3A_98 : i32
      %add3A_100 = vector.broadcast %add3A_99 : i32 to vector<16xi32>
      %add3A_101 = arith.addi %add3A_100, %iota3A : vector<16xi32>
      %select_n3A_102 = arith.select %and3A, %get3A_96, %add3A_101 : vector<16xi1>, vector<16xi32>
      %swap3A = arith.index_cast %mul3A_81 : i32 to index
      %swap3A_103 = tpu.vector_load %arg15[%swap3A] {strides = array<i32>} : memref<4096xi32, #tpu.memory_space<vmem>>, vector<16xi32>,
      %swap3A_104 = vector.shape_cast %swap3A_103 : vector<16xi32> to vector<16xi32>
      %swap3A_105 = vector.shape_cast %select_n3A_102 : vector<16xi32> to vector<16xi32>
      tpu.vector_store %arg15[%swap3A], %swap3A_105 {strides = array<i32>} : memref<4096xi32, #tpu.memory_space<vmem>>, vector<16xi32>,
      %add3A_106 = arith.addf %get3A_83, %get3A_86 : vector<16xf32>
      %mul3A_107 = arith.constant 5.000000e-01 : f32
      %mul3A_108 = vector.broadcast %mul3A_107 : f32 to vector<16xf32>
      %mul3A_109 = arith.mulf %add3A_106, %mul3A_108 : vector<16xf32>
      %swap3A_110 = arith.index_cast %mul3A_81 : i32 to index
      %swap3A_111 = tpu.vector_load %arg16[%swap3A_110] {strides = array<i32>} : memref<4096xf32, #tpu.memory_space<vmem>>, vector<16xf32>,
      %swap3A_112 = vector.shape_cast %swap3A_111 : vector<16xf32> to vector<16xf32>
      %swap3A_113 = vector.shape_cast %mul3A_109 : vector<16xf32> to vector<16xf32>
      tpu.vector_store %arg16[%swap3A_110], %swap3A_113 {strides = array<i32>} : memref<4096xf32, #tpu.memory_space<vmem>>, vector<16xf32>,
    }
    %scan3A_74 = arith.constant 256 : i32
    "tpu.region"() ({
      %run_scoped3A = tpu.sem_alloc : memref<!tpu.dma_semaphore, #tpu.memory_space<semaphore_mem>>
      %dma_start3A_75 = arith.constant 0 : i32
      %dma_start3A_76 = tpu.memref_slice %arg7[%add3A, %dma_start3A_75] : memref<32x4096xi32, #tpu.memory_space<hbm>> -> memref<1x4096xi32, #tpu.memory_space<hbm>>
      %dma_start3A_77 = tpu.memref_squeeze %dma_start3A_76 : memref<1x4096xi32, #tpu.memory_space<hbm>> -> memref<4096xi32, #tpu.memory_space<hbm>>
      %dma_start3A_78 = arith.constant 0 : i32
      %dma_start3A_79 = tpu.memref_slice %arg7[%add3A, %dma_start3A_78] : memref<32x4096xi32, #tpu.memory_space<hbm>> -> memref<1x4096xi32, #tpu.memory_space<hbm>>
      %dma_start3A_80 = tpu.memref_squeeze %dma_start3A_79 : memref<1x4096xi32, #tpu.memory_space<hbm>> -> memref<4096xi32, #tpu.memory_space<hbm>>
      tpu.enqueue_dma source(%arg15 : memref<4096xi32, #tpu.memory_space<vmem>>) target(%dma_start3A_80 : memref<4096xi32, #tpu.memory_space<hbm>>) target_semaphore(%run_scoped3A : memref<!tpu.dma_semaphore, #tpu.memory_space<semaphore_mem>>)
      %dma_wait3A_81 = arith.constant 0 : i32
      %dma_wait3A_82 = tpu.memref_slice %arg7[%add3A, %dma_wait3A_81] : memref<32x4096xi32, #tpu.memory_space<hbm>> -> memref<1x4096xi32, #tpu.memory_space<hbm>>
      %dma_wait3A_83 = tpu.memref_squeeze %dma_wait3A_82 : memref<1x4096xi32, #tpu.memory_space<hbm>> -> memref<4096xi32, #tpu.memory_space<hbm>>
      %dma_wait3A_84 = arith.constant 0 : i32
      %dma_wait3A_85 = tpu.memref_slice %arg7[%add3A, %dma_wait3A_84] : memref<32x4096xi32, #tpu.memory_space<hbm>> -> memref<1x4096xi32, #tpu.memory_space<hbm>>
      %dma_wait3A_86 = tpu.memref_squeeze %dma_wait3A_85 : memref<1x4096xi32, #tpu.memory_space<hbm>> -> memref<4096xi32, #tpu.memory_space<hbm>>
      tpu.wait_dma2 semaphore(%run_scoped3A : memref<!tpu.dma_semaphore, #tpu.memory_space<semaphore_mem>>) src(%arg15 : memref<4096xi32, #tpu.memory_space<vmem>>) dst(%dma_wait3A_86 : memref<4096xi32, #tpu.memory_space<hbm>>)
      tpu.yield
    }) : () -> ()
    "tpu.region"() ({
      %run_scoped3A = tpu.sem_alloc : memref<!tpu.dma_semaphore, #tpu.memory_space<semaphore_mem>>
      %dma_start3A_75 = arith.constant 0 : i32
      %dma_start3A_76 = tpu.memref_slice %arg8[%add3A, %dma_start3A_75] : memref<32x4096xf32, #tpu.memory_space<hbm>> -> memref<1x4096xf32, #tpu.memory_space<hbm>>
      %dma_start3A_77 = tpu.memref_squeeze %dma_start3A_76 : memref<1x4096xf32, #tpu.memory_space<hbm>> -> memref<4096xf32, #tpu.memory_space<hbm>>
      %dma_start3A_78 = arith.constant 0 : i32
      %dma_start3A_79 = tpu.memref_slice %arg8[%add3A, %dma_start3A_78] : memref<32x4096xf32, #tpu.memory_space<hbm>> -> memref<1x4096xf32, #tpu.memory_space<hbm>>
      %dma_start3A_80 = tpu.memref_squeeze %dma_start3A_79 : memref<1x4096xf32, #tpu.memory_space<hbm>> -> memref<4096xf32, #tpu.memory_space<hbm>>
      tpu.enqueue_dma source(%arg16 : memref<4096xf32, #tpu.memory_space<vmem>>) target(%dma_start3A_80 : memref<4096xf32, #tpu.memory_space<hbm>>) target_semaphore(%run_scoped3A : memref<!tpu.dma_semaphore, #tpu.memory_space<semaphore_mem>>)
      %dma_wait3A_81 = arith.constant 0 : i32
      %dma_wait3A_82 = tpu.memref_slice %arg8[%add3A, %dma_wait3A_81] : memref<32x4096xf32, #tpu.memory_space<hbm>> -> memref<1x4096xf32, #tpu.memory_space<hbm>>
      %dma_wait3A_83 = tpu.memref_squeeze %dma_wait3A_82 : memref<1x4096xf32, #tpu.memory_space<hbm>> -> memref<4096xf32, #tpu.memory_space<hbm>>
      %dma_wait3A_84 = arith.constant 0 : i32
      %dma_wait3A_85 = tpu.memref_slice %arg8[%add3A, %dma_wait3A_84] : memref<32x4096xf32, #tpu.memory_space<hbm>> -> memref<1x4096xf32, #tpu.memory_space<hbm>>
      %dma_wait3A_86 = tpu.memref_squeeze %dma_wait3A_85 : memref<1x4096xf32, #tpu.memory_space<hbm>> -> memref<4096xf32, #tpu.memory_space<hbm>>
      tpu.wait_dma2 semaphore(%run_scoped3A : memref<!tpu.dma_semaphore, #tpu.memory_space<semaphore_mem>>) src(%arg16 : memref<4096xf32, #tpu.memory_space<vmem>>) dst(%dma_wait3A_86 : memref<4096xf32, #tpu.memory_space<hbm>>)
      tpu.yield
    }) : () -> ()
    return
  }
}

#map = affine_map<(d0, d1) -> (0, 0)>
#map1 = affine_map<(d0, d1) -> (0)>
module attributes {stable_mosaic.version = 14 : i64} {
  func.func @new_body(%arg0: i32, %arg1: i32, %arg2: memref<32x2048xi32, #tpu.memory_space<hbm>>, %arg3: memref<32x2048xi32, #tpu.memory_space<hbm>>, %arg4: memref<32x2048xi32, #tpu.memory_space<hbm>>, %arg5: memref<1024xf32, #tpu.memory_space<hbm>>, %arg6: memref<16908288xf32, #tpu.memory_space<hbm>>, %arg7: memref<16908288xf32, #tpu.memory_space<hbm>>, %arg8: memref<2048xi32, #tpu.memory_space<vmem>>, %arg9: memref<2048xi32, #tpu.memory_space<vmem>>, %arg10: memref<2048xi32, #tpu.memory_space<vmem>>, %arg11: memref<2048xi32, #tpu.memory_space<vmem>>, %arg12: memref<2048xf32, #tpu.memory_space<vmem>>, %arg13: memref<1024xf32, #tpu.memory_space<vmem_shared>>, %arg14: memref<!tpu.dma_semaphore, #tpu.memory_space<semaphore_mem>>) attributes {dimension_semantics = [#tpu.dimension_semantics<core_parallel>, #tpu.dimension_semantics<subcore_parallel>], iteration_bounds = array<i64: 2, 16>, scalar_prefetch = 0 : i64, scratch_operands = 7 : i64, tpu.core_type = #tpu.core_type<sc_vector_subcore>, window_params = [{transform_indices = #map}, {transform_indices = #map}, {transform_indices = #map}, {transform_indices = #map1}, {transform_indices = #map1}, {transform_indices = #map1}]} {
    %mul3A = arith.constant 2 : i32
    %mul3A_0 = arith.muli %arg1, %mul3A : i32
    %add3A = arith.addi %mul3A_0, %arg0 : i32
    %eq3A = arith.constant 0 : i32
    %eq3A_1 = arith.cmpi eq, %arg1, %eq3A : i32
    %convert_element_type3A = arith.extui %eq3A_1 : i1 to i32
    %cond3A = arith.constant 0 : i32
    %cond3A_2 = arith.cmpi ne, %convert_element_type3A, %cond3A : i32
    scf.if %cond3A_2 {
      "tpu.region"() ({
        %run_scoped3A = tpu.sem_alloc : memref<!tpu.dma_semaphore, #tpu.memory_space<semaphore_mem>>
        tpu.enqueue_dma source(%arg5 : memref<1024xf32, #tpu.memory_space<hbm>>) target(%arg13 : memref<1024xf32, #tpu.memory_space<vmem_shared>>) target_semaphore(%run_scoped3A : memref<!tpu.dma_semaphore, #tpu.memory_space<semaphore_mem>>)
        tpu.wait_dma2 semaphore(%run_scoped3A : memref<!tpu.dma_semaphore, #tpu.memory_space<semaphore_mem>>) src(%arg5 : memref<1024xf32, #tpu.memory_space<hbm>>) dst(%arg13 : memref<1024xf32, #tpu.memory_space<vmem_shared>>)
        tpu.yield
      }) : () -> ()
    } else {
    }
    %barrier3A = arith.constant 0 : index
    tpu.barrier barrier_id(%barrier3A)
    "tpu.region"() ({
      %run_scoped3A = tpu.sem_alloc : memref<!tpu.dma_semaphore, #tpu.memory_space<semaphore_mem>>
      %dma_start3A_18 = arith.constant 0 : i32
      %dma_start3A_19 = tpu.memref_slice %arg2[%add3A, %dma_start3A_18] : memref<32x2048xi32, #tpu.memory_space<hbm>> -> memref<1x2048xi32, #tpu.memory_space<hbm>>
      %dma_start3A_20 = tpu.memref_squeeze %dma_start3A_19 : memref<1x2048xi32, #tpu.memory_space<hbm>> -> memref<2048xi32, #tpu.memory_space<hbm>>
      %dma_start3A_21 = arith.constant 0 : i32
      %dma_start3A_22 = tpu.memref_slice %arg2[%add3A, %dma_start3A_21] : memref<32x2048xi32, #tpu.memory_space<hbm>> -> memref<1x2048xi32, #tpu.memory_space<hbm>>
      %dma_start3A_23 = tpu.memref_squeeze %dma_start3A_22 : memref<1x2048xi32, #tpu.memory_space<hbm>> -> memref<2048xi32, #tpu.memory_space<hbm>>
      tpu.enqueue_dma source(%dma_start3A_23 : memref<2048xi32, #tpu.memory_space<hbm>>) target(%arg8 : memref<2048xi32, #tpu.memory_space<vmem>>) target_semaphore(%run_scoped3A : memref<!tpu.dma_semaphore, #tpu.memory_space<semaphore_mem>>)
      %dma_wait3A_24 = arith.constant 0 : i32
      %dma_wait3A_25 = tpu.memref_slice %arg2[%add3A, %dma_wait3A_24] : memref<32x2048xi32, #tpu.memory_space<hbm>> -> memref<1x2048xi32, #tpu.memory_space<hbm>>
      %dma_wait3A_26 = tpu.memref_squeeze %dma_wait3A_25 : memref<1x2048xi32, #tpu.memory_space<hbm>> -> memref<2048xi32, #tpu.memory_space<hbm>>
      %dma_wait3A_27 = arith.constant 0 : i32
      %dma_wait3A_28 = tpu.memref_slice %arg2[%add3A, %dma_wait3A_27] : memref<32x2048xi32, #tpu.memory_space<hbm>> -> memref<1x2048xi32, #tpu.memory_space<hbm>>
      %dma_wait3A_29 = tpu.memref_squeeze %dma_wait3A_28 : memref<1x2048xi32, #tpu.memory_space<hbm>> -> memref<2048xi32, #tpu.memory_space<hbm>>
      tpu.wait_dma2 semaphore(%run_scoped3A : memref<!tpu.dma_semaphore, #tpu.memory_space<semaphore_mem>>) src(%dma_wait3A_29 : memref<2048xi32, #tpu.memory_space<hbm>>) dst(%arg8 : memref<2048xi32, #tpu.memory_space<vmem>>)
      tpu.yield
    }) : () -> ()
    "tpu.region"() ({
      %run_scoped3A = tpu.sem_alloc : memref<!tpu.dma_semaphore, #tpu.memory_space<semaphore_mem>>
      %dma_start3A_18 = arith.constant 0 : i32
      %dma_start3A_19 = tpu.memref_slice %arg3[%add3A, %dma_start3A_18] : memref<32x2048xi32, #tpu.memory_space<hbm>> -> memref<1x2048xi32, #tpu.memory_space<hbm>>
      %dma_start3A_20 = tpu.memref_squeeze %dma_start3A_19 : memref<1x2048xi32, #tpu.memory_space<hbm>> -> memref<2048xi32, #tpu.memory_space<hbm>>
      %dma_start3A_21 = arith.constant 0 : i32
      %dma_start3A_22 = tpu.memref_slice %arg3[%add3A, %dma_start3A_21] : memref<32x2048xi32, #tpu.memory_space<hbm>> -> memref<1x2048xi32, #tpu.memory_space<hbm>>
      %dma_start3A_23 = tpu.memref_squeeze %dma_start3A_22 : memref<1x2048xi32, #tpu.memory_space<hbm>> -> memref<2048xi32, #tpu.memory_space<hbm>>
      tpu.enqueue_dma source(%dma_start3A_23 : memref<2048xi32, #tpu.memory_space<hbm>>) target(%arg9 : memref<2048xi32, #tpu.memory_space<vmem>>) target_semaphore(%run_scoped3A : memref<!tpu.dma_semaphore, #tpu.memory_space<semaphore_mem>>)
      %dma_wait3A_24 = arith.constant 0 : i32
      %dma_wait3A_25 = tpu.memref_slice %arg3[%add3A, %dma_wait3A_24] : memref<32x2048xi32, #tpu.memory_space<hbm>> -> memref<1x2048xi32, #tpu.memory_space<hbm>>
      %dma_wait3A_26 = tpu.memref_squeeze %dma_wait3A_25 : memref<1x2048xi32, #tpu.memory_space<hbm>> -> memref<2048xi32, #tpu.memory_space<hbm>>
      %dma_wait3A_27 = arith.constant 0 : i32
      %dma_wait3A_28 = tpu.memref_slice %arg3[%add3A, %dma_wait3A_27] : memref<32x2048xi32, #tpu.memory_space<hbm>> -> memref<1x2048xi32, #tpu.memory_space<hbm>>
      %dma_wait3A_29 = tpu.memref_squeeze %dma_wait3A_28 : memref<1x2048xi32, #tpu.memory_space<hbm>> -> memref<2048xi32, #tpu.memory_space<hbm>>
      tpu.wait_dma2 semaphore(%run_scoped3A : memref<!tpu.dma_semaphore, #tpu.memory_space<semaphore_mem>>) src(%dma_wait3A_29 : memref<2048xi32, #tpu.memory_space<hbm>>) dst(%arg9 : memref<2048xi32, #tpu.memory_space<vmem>>)
      tpu.yield
    }) : () -> ()
    "tpu.region"() ({
      %run_scoped3A = tpu.sem_alloc : memref<!tpu.dma_semaphore, #tpu.memory_space<semaphore_mem>>
      %dma_start3A_18 = arith.constant 0 : i32
      %dma_start3A_19 = tpu.memref_slice %arg4[%add3A, %dma_start3A_18] : memref<32x2048xi32, #tpu.memory_space<hbm>> -> memref<1x2048xi32, #tpu.memory_space<hbm>>
      %dma_start3A_20 = tpu.memref_squeeze %dma_start3A_19 : memref<1x2048xi32, #tpu.memory_space<hbm>> -> memref<2048xi32, #tpu.memory_space<hbm>>
      %dma_start3A_21 = arith.constant 0 : i32
      %dma_start3A_22 = tpu.memref_slice %arg4[%add3A, %dma_start3A_21] : memref<32x2048xi32, #tpu.memory_space<hbm>> -> memref<1x2048xi32, #tpu.memory_space<hbm>>
      %dma_start3A_23 = tpu.memref_squeeze %dma_start3A_22 : memref<1x2048xi32, #tpu.memory_space<hbm>> -> memref<2048xi32, #tpu.memory_space<hbm>>
      tpu.enqueue_dma source(%dma_start3A_23 : memref<2048xi32, #tpu.memory_space<hbm>>) target(%arg10 : memref<2048xi32, #tpu.memory_space<vmem>>) target_semaphore(%run_scoped3A : memref<!tpu.dma_semaphore, #tpu.memory_space<semaphore_mem>>)
      %dma_wait3A_24 = arith.constant 0 : i32
      %dma_wait3A_25 = tpu.memref_slice %arg4[%add3A, %dma_wait3A_24] : memref<32x2048xi32, #tpu.memory_space<hbm>> -> memref<1x2048xi32, #tpu.memory_space<hbm>>
      %dma_wait3A_26 = tpu.memref_squeeze %dma_wait3A_25 : memref<1x2048xi32, #tpu.memory_space<hbm>> -> memref<2048xi32, #tpu.memory_space<hbm>>
      %dma_wait3A_27 = arith.constant 0 : i32
      %dma_wait3A_28 = tpu.memref_slice %arg4[%add3A, %dma_wait3A_27] : memref<32x2048xi32, #tpu.memory_space<hbm>> -> memref<1x2048xi32, #tpu.memory_space<hbm>>
      %dma_wait3A_29 = tpu.memref_squeeze %dma_wait3A_28 : memref<1x2048xi32, #tpu.memory_space<hbm>> -> memref<2048xi32, #tpu.memory_space<hbm>>
      tpu.wait_dma2 semaphore(%run_scoped3A : memref<!tpu.dma_semaphore, #tpu.memory_space<semaphore_mem>>) src(%dma_wait3A_29 : memref<2048xi32, #tpu.memory_space<hbm>>) dst(%arg10 : memref<2048xi32, #tpu.memory_space<vmem>>)
      tpu.yield
    }) : () -> ()
    %scan3A = arith.constant 0 : i32
    %scan3A_3 = arith.constant 128 : i32
    %scan3A_4 = arith.addi %scan3A, %scan3A_3 : i32
    %scan3A_5 = arith.constant 1 : i32
    scf.for %scan3A_18 = %scan3A to %scan3A_4 step %scan3A_5  : i32 {
      %mul3A_19 = arith.constant 1 : i32
      %mul3A_20 = arith.muli %scan3A_18, %mul3A_19 : i32
      %add3A_21 = arith.constant 0 : i32
      %add3A_22 = arith.addi %add3A_21, %mul3A_20 : i32
      %mul3A_23 = arith.constant 16 : i32
      %mul3A_24 = arith.muli %add3A_22, %mul3A_23 : i32
      %get3A = arith.index_cast %mul3A_24 : i32 to index
      %get3A_25 = tpu.vector_load %arg8[%get3A] {strides = array<i32>} : memref<2048xi32, #tpu.memory_space<vmem>>, vector<16xi32>,
      %get3A_26 = vector.shape_cast %get3A_25 : vector<16xi32> to vector<16xi32>
      %mul3A_27 = arith.constant 4096 : i32
      %mul3A_28 = vector.broadcast %mul3A_27 : i32 to vector<16xi32>
      %mul3A_29 = arith.muli %get3A_26, %mul3A_28 : vector<16xi32>
      %get3A_30 = arith.index_cast %mul3A_24 : i32 to index
      %get3A_31 = tpu.vector_load %arg9[%get3A_30] {strides = array<i32>} : memref<2048xi32, #tpu.memory_space<vmem>>, vector<16xi32>,
      %get3A_32 = vector.shape_cast %get3A_31 : vector<16xi32> to vector<16xi32>
      %add3A_33 = arith.addi %mul3A_29, %get3A_32 : vector<16xi32>
      %swap3A = arith.index_cast %mul3A_24 : i32 to index
      %swap3A_34 = tpu.vector_load %arg11[%swap3A] {strides = array<i32>} : memref<2048xi32, #tpu.memory_space<vmem>>, vector<16xi32>,
      %swap3A_35 = vector.shape_cast %swap3A_34 : vector<16xi32> to vector<16xi32>
      %swap3A_36 = vector.shape_cast %add3A_33 : vector<16xi32> to vector<16xi32>
      tpu.vector_store %arg11[%swap3A], %swap3A_36 {strides = array<i32>} : memref<2048xi32, #tpu.memory_space<vmem>>, vector<16xi32>,
    }
    %scan3A_6 = arith.constant 128 : i32
    %dma_start3A = arith.constant 0 : i32
    %dma_start3A_7 = tpu.memref_slice %arg13[%dma_start3A] : memref<1024xf32, #tpu.memory_space<vmem_shared>> -> memref<1024xf32, #tpu.memory_space<vmem_shared>>
    tpu.enqueue_indirect_dma source(%dma_start3A_7 : memref<1024xf32, #tpu.memory_space<vmem_shared>>) target(%arg12 : memref<2048xf32, #tpu.memory_space<vmem>>) offsets(%arg10 : memref<2048xi32, #tpu.memory_space<vmem>>) semaphore(%arg14 : memref<!tpu.dma_semaphore, #tpu.memory_space<semaphore_mem>>)
    %dma_wait3A = arith.constant 0 : i32
    %dma_wait3A_8 = tpu.memref_slice %arg13[%dma_wait3A] : memref<1024xf32, #tpu.memory_space<vmem_shared>> -> memref<1024xf32, #tpu.memory_space<vmem_shared>>
    tpu.wait_indirect_dma semaphore(%arg14 : memref<!tpu.dma_semaphore, #tpu.memory_space<semaphore_mem>>) src(%dma_wait3A_8 : memref<1024xf32, #tpu.memory_space<vmem_shared>>) dst(%arg12 : memref<2048xf32, #tpu.memory_space<vmem>>)
    %scan3A_9 = arith.constant 0 : i32
    %scan3A_10 = arith.constant 128 : i32
    %scan3A_11 = arith.addi %scan3A_9, %scan3A_10 : i32
    %scan3A_12 = arith.constant 1 : i32
    scf.for %scan3A_18 = %scan3A_9 to %scan3A_11 step %scan3A_12  : i32 {
      %mul3A_19 = arith.constant 1 : i32
      %mul3A_20 = arith.muli %scan3A_18, %mul3A_19 : i32
      %add3A_21 = arith.constant 0 : i32
      %add3A_22 = arith.addi %add3A_21, %mul3A_20 : i32
      %mul3A_23 = arith.constant 16 : i32
      %mul3A_24 = arith.muli %add3A_22, %mul3A_23 : i32
      %get3A = arith.index_cast %mul3A_24 : i32 to index
      %get3A_25 = tpu.vector_load %arg12[%get3A] {strides = array<i32>} : memref<2048xf32, #tpu.memory_space<vmem>>, vector<16xf32>,
      %get3A_26 = vector.shape_cast %get3A_25 : vector<16xf32> to vector<16xf32>
      %mul3A_27 = arith.constant 1.000000e+00 : f32
      %mul3A_28 = vector.broadcast %mul3A_27 : f32 to vector<16xf32>
      %mul3A_29 = arith.mulf %get3A_26, %mul3A_28 : vector<16xf32>
      %swap3A = arith.index_cast %mul3A_24 : i32 to index
      %swap3A_30 = tpu.vector_load %arg12[%swap3A] {strides = array<i32>} : memref<2048xf32, #tpu.memory_space<vmem>>, vector<16xf32>,
      %swap3A_31 = vector.shape_cast %swap3A_30 : vector<16xf32> to vector<16xf32>
      %swap3A_32 = vector.shape_cast %mul3A_29 : vector<16xf32> to vector<16xf32>
      tpu.vector_store %arg12[%swap3A], %swap3A_32 {strides = array<i32>} : memref<2048xf32, #tpu.memory_space<vmem>>, vector<16xf32>,
    }
    %scan3A_13 = arith.constant 128 : i32
    %dma_start3A_14 = arith.constant 0 : i32
    %dma_start3A_15 = tpu.memref_slice %arg6[%dma_start3A_14] : memref<16908288xf32, #tpu.memory_space<hbm>> -> memref<16908288xf32, #tpu.memory_space<hbm>>
    tpu.enqueue_indirect_dma source(%arg12 : memref<2048xf32, #tpu.memory_space<vmem>>) target(%dma_start3A_15 : memref<16908288xf32, #tpu.memory_space<hbm>>) offsets(%arg11 : memref<2048xi32, #tpu.memory_space<vmem>>) semaphore(%arg14 : memref<!tpu.dma_semaphore, #tpu.memory_space<semaphore_mem>>)
    %dma_wait3A_16 = arith.constant 0 : i32
    %dma_wait3A_17 = tpu.memref_slice %arg6[%dma_wait3A_16] : memref<16908288xf32, #tpu.memory_space<hbm>> -> memref<16908288xf32, #tpu.memory_space<hbm>>
    tpu.wait_indirect_dma semaphore(%arg14 : memref<!tpu.dma_semaphore, #tpu.memory_space<semaphore_mem>>) src(%arg12 : memref<2048xf32, #tpu.memory_space<vmem>>) dst(%dma_wait3A_17 : memref<16908288xf32, #tpu.memory_space<hbm>>)
    return
  }
}

#map = affine_map<(d0, d1) -> (0, 0)>
#map1 = affine_map<(d0, d1) -> (0)>
module attributes {stable_mosaic.version = 14 : i64} {
  func.func @new_body(%arg0: i32, %arg1: i32, %arg2: memref<32x4096xi32, #tpu.memory_space<hbm>>, %arg3: memref<32x4096xf32, #tpu.memory_space<hbm>>, %arg4: memref<16908288xf32, #tpu.memory_space<hbm>>, %arg5: memref<32x4096xi32, #tpu.memory_space<hbm>>, %arg6: memref<32x4096xf32, #tpu.memory_space<hbm>>, %arg7: memref<16908288xf32, #tpu.memory_space<hbm>>, %arg8: memref<4096xi32, #tpu.memory_space<vmem>>, %arg9: memref<4096xf32, #tpu.memory_space<vmem>>, %arg10: memref<!tpu.dma_semaphore, #tpu.memory_space<semaphore_mem>>) attributes {dimension_semantics = [#tpu.dimension_semantics<core_parallel>, #tpu.dimension_semantics<subcore_parallel>], iteration_bounds = array<i64: 2, 16>, scalar_prefetch = 0 : i64, scratch_operands = 3 : i64, tpu.core_type = #tpu.core_type<sc_vector_subcore>, window_params = [{transform_indices = #map}, {transform_indices = #map}, {transform_indices = #map1}, {transform_indices = #map}, {transform_indices = #map}, {transform_indices = #map1}]} {
    %mul3A = arith.constant 2 : i32
    %mul3A_0 = arith.muli %arg1, %mul3A : i32
    %add3A = arith.addi %mul3A_0, %arg0 : i32
    "tpu.region"() ({
      %run_scoped3A = tpu.sem_alloc : memref<!tpu.dma_semaphore, #tpu.memory_space<semaphore_mem>>
      %dma_start3A_3 = arith.constant 0 : i32
      %dma_start3A_4 = tpu.memref_slice %arg2[%add3A, %dma_start3A_3] : memref<32x4096xi32, #tpu.memory_space<hbm>> -> memref<1x4096xi32, #tpu.memory_space<hbm>>
      %dma_start3A_5 = tpu.memref_squeeze %dma_start3A_4 : memref<1x4096xi32, #tpu.memory_space<hbm>> -> memref<4096xi32, #tpu.memory_space<hbm>>
      %dma_start3A_6 = arith.constant 0 : i32
      %dma_start3A_7 = tpu.memref_slice %arg2[%add3A, %dma_start3A_6] : memref<32x4096xi32, #tpu.memory_space<hbm>> -> memref<1x4096xi32, #tpu.memory_space<hbm>>
      %dma_start3A_8 = tpu.memref_squeeze %dma_start3A_7 : memref<1x4096xi32, #tpu.memory_space<hbm>> -> memref<4096xi32, #tpu.memory_space<hbm>>
      tpu.enqueue_dma source(%dma_start3A_8 : memref<4096xi32, #tpu.memory_space<hbm>>) target(%arg8 : memref<4096xi32, #tpu.memory_space<vmem>>) target_semaphore(%run_scoped3A : memref<!tpu.dma_semaphore, #tpu.memory_space<semaphore_mem>>)
      %dma_wait3A_9 = arith.constant 0 : i32
      %dma_wait3A_10 = tpu.memref_slice %arg2[%add3A, %dma_wait3A_9] : memref<32x4096xi32, #tpu.memory_space<hbm>> -> memref<1x4096xi32, #tpu.memory_space<hbm>>
      %dma_wait3A_11 = tpu.memref_squeeze %dma_wait3A_10 : memref<1x4096xi32, #tpu.memory_space<hbm>> -> memref<4096xi32, #tpu.memory_space<hbm>>
      %dma_wait3A_12 = arith.constant 0 : i32
      %dma_wait3A_13 = tpu.memref_slice %arg2[%add3A, %dma_wait3A_12] : memref<32x4096xi32, #tpu.memory_space<hbm>> -> memref<1x4096xi32, #tpu.memory_space<hbm>>
      %dma_wait3A_14 = tpu.memref_squeeze %dma_wait3A_13 : memref<1x4096xi32, #tpu.memory_space<hbm>> -> memref<4096xi32, #tpu.memory_space<hbm>>
      tpu.wait_dma2 semaphore(%run_scoped3A : memref<!tpu.dma_semaphore, #tpu.memory_space<semaphore_mem>>) src(%dma_wait3A_14 : memref<4096xi32, #tpu.memory_space<hbm>>) dst(%arg8 : memref<4096xi32, #tpu.memory_space<vmem>>)
      tpu.yield
    }) : () -> ()
    "tpu.region"() ({
      %run_scoped3A = tpu.sem_alloc : memref<!tpu.dma_semaphore, #tpu.memory_space<semaphore_mem>>
      %dma_start3A_3 = arith.constant 0 : i32
      %dma_start3A_4 = tpu.memref_slice %arg3[%add3A, %dma_start3A_3] : memref<32x4096xf32, #tpu.memory_space<hbm>> -> memref<1x4096xf32, #tpu.memory_space<hbm>>
      %dma_start3A_5 = tpu.memref_squeeze %dma_start3A_4 : memref<1x4096xf32, #tpu.memory_space<hbm>> -> memref<4096xf32, #tpu.memory_space<hbm>>
      %dma_start3A_6 = arith.constant 0 : i32
      %dma_start3A_7 = tpu.memref_slice %arg3[%add3A, %dma_start3A_6] : memref<32x4096xf32, #tpu.memory_space<hbm>> -> memref<1x4096xf32, #tpu.memory_space<hbm>>
      %dma_start3A_8 = tpu.memref_squeeze %dma_start3A_7 : memref<1x4096xf32, #tpu.memory_space<hbm>> -> memref<4096xf32, #tpu.memory_space<hbm>>
      tpu.enqueue_dma source(%dma_start3A_8 : memref<4096xf32, #tpu.memory_space<hbm>>) target(%arg9 : memref<4096xf32, #tpu.memory_space<vmem>>) target_semaphore(%run_scoped3A : memref<!tpu.dma_semaphore, #tpu.memory_space<semaphore_mem>>)
      %dma_wait3A_9 = arith.constant 0 : i32
      %dma_wait3A_10 = tpu.memref_slice %arg3[%add3A, %dma_wait3A_9] : memref<32x4096xf32, #tpu.memory_space<hbm>> -> memref<1x4096xf32, #tpu.memory_space<hbm>>
      %dma_wait3A_11 = tpu.memref_squeeze %dma_wait3A_10 : memref<1x4096xf32, #tpu.memory_space<hbm>> -> memref<4096xf32, #tpu.memory_space<hbm>>
      %dma_wait3A_12 = arith.constant 0 : i32
      %dma_wait3A_13 = tpu.memref_slice %arg3[%add3A, %dma_wait3A_12] : memref<32x4096xf32, #tpu.memory_space<hbm>> -> memref<1x4096xf32, #tpu.memory_space<hbm>>
      %dma_wait3A_14 = tpu.memref_squeeze %dma_wait3A_13 : memref<1x4096xf32, #tpu.memory_space<hbm>> -> memref<4096xf32, #tpu.memory_space<hbm>>
      tpu.wait_dma2 semaphore(%run_scoped3A : memref<!tpu.dma_semaphore, #tpu.memory_space<semaphore_mem>>) src(%dma_wait3A_14 : memref<4096xf32, #tpu.memory_space<hbm>>) dst(%arg9 : memref<4096xf32, #tpu.memory_space<vmem>>)
      tpu.yield
    }) : () -> ()
    %dma_start3A = arith.constant 0 : i32
    %dma_start3A_1 = tpu.memref_slice %arg4[%dma_start3A] : memref<16908288xf32, #tpu.memory_space<hbm>> -> memref<16908288xf32, #tpu.memory_space<hbm>>
    tpu.enqueue_indirect_dma source(%arg9 : memref<4096xf32, #tpu.memory_space<vmem>>) target(%dma_start3A_1 : memref<16908288xf32, #tpu.memory_space<hbm>>) offsets(%arg8 : memref<4096xi32, #tpu.memory_space<vmem>>) semaphore(%arg10 : memref<!tpu.dma_semaphore, #tpu.memory_space<semaphore_mem>>)
    %dma_wait3A = arith.constant 0 : i32
    %dma_wait3A_2 = tpu.memref_slice %arg4[%dma_wait3A] : memref<16908288xf32, #tpu.memory_space<hbm>> -> memref<16908288xf32, #tpu.memory_space<hbm>>
    tpu.wait_indirect_dma semaphore(%arg10 : memref<!tpu.dma_semaphore, #tpu.memory_space<semaphore_mem>>) src(%arg9 : memref<4096xf32, #tpu.memory_space<vmem>>) dst(%dma_wait3A_2 : memref<16908288xf32, #tpu.memory_space<hbm>>)
    return
  }
}

module attributes {stable_mosaic.version = 14 : i64} {
  func.func @_scores_body(%arg0: memref<64x1024xf32, #tpu.memory_space<vmem>>, %arg1: memref<64x1xf32, #tpu.memory_space<vmem>>, %arg2: memref<1x1024xf32, #tpu.memory_space<vmem>>) attributes {dimension_semantics = [], scalar_prefetch = 0 : i64, scratch_operands = 0 : i64, tpu.core_type = #tpu.core_type<tc>} {
    %get3A = arith.constant 0 : index
    %get3A_0 = arith.constant 0 : index
    %get3A_1 = vector.load %arg0[%get3A, %get3A_0] : memref<64x1024xf32, #tpu.memory_space<vmem>>, vector<64x1024xf32>
    %get3A_2 = arith.constant 0 : index
    %get3A_3 = arith.constant 0 : index
    %get3A_4 = vector.load %arg1[%get3A_2, %get3A_3] : memref<64x1xf32, #tpu.memory_space<vmem>>, vector<64x1xf32>
    %mul3A = vector.broadcast %get3A_4 : vector<64x1xf32> to vector<64x1024xf32>
    %mul3A_5 = arith.mulf %get3A_1, %mul3A : vector<64x1024xf32>
    %reduce_sum3A = arith.constant dense<0.000000e+00> : vector<1024xf32>
    %reduce_sum3A_6 = vector.multi_reduction <add>, %mul3A_5, %reduce_sum3A [0] : vector<64x1024xf32> to vector<1024xf32>
    %broadcast_in_dim3A = vector.shape_cast %reduce_sum3A_6 : vector<1024xf32> to vector<1x1024xf32>
    %max3A = arith.constant 0.000000e+00 : f32
    %max3A_7 = vector.broadcast %max3A : f32 to vector<1x1024xf32>
    %max3A_8 = arith.maximumf %broadcast_in_dim3A, %max3A_7 : vector<1x1024xf32>
    %add3A = arith.constant 1.000000e+00 : f32
    %add3A_9 = vector.broadcast %add3A : f32 to vector<1x1024xf32>
    %add3A_10 = arith.addf %max3A_8, %add3A_9 : vector<1x1024xf32>
    %swap3A = arith.constant 0 : index
    %swap3A_11 = arith.constant 0 : index
    %swap3A_12 = vector.load %arg2[%swap3A, %swap3A_11] : memref<1x1024xf32, #tpu.memory_space<vmem>>, vector<1x1024xf32>
    tpu.vector_store %arg2[%swap3A, %swap3A_11], %add3A_10 {strides = array<i32>} : memref<1x1024xf32, #tpu.memory_space<vmem>>, vector<1x1024xf32>,
    return
  }
}

module attributes {stable_mosaic.version = 14 : i64} {
  func.func @_flash_body(%arg0: i32, %arg1: memref<256x4096xf32, #tpu.memory_space<vmem>>, %arg2: memref<256x4096xf32, #tpu.memory_space<vmem>>, %arg3: memref<4096x256xf32, #tpu.memory_space<vmem>>, %arg4: memref<1x256xf32, #tpu.memory_space<vmem>>, %arg5: memref<256x256xf32, #tpu.memory_space<vmem>>) attributes {dimension_semantics = [#tpu.dimension_semantics<arbitrary>], iteration_bounds = array<i64: 16>, scalar_prefetch = 0 : i64, scratch_operands = 0 : i64, tpu.core_type = #tpu.core_type<tc>, window_params = [{transform_indices = @transform_0, window_bounds = array<i64: 256, 4096>}, {transform_indices = @transform_1, window_bounds = array<i64: 256, 4096>}, {pipeline_mode = #tpu.pipeline_mode<synchronous>, transform_indices = @transform_2, window_bounds = array<i64: 4096, 256>}, {pipeline_mode = #tpu.pipeline_mode<synchronous>, transform_indices = @transform_3, window_bounds = array<i64: 1, 256>}, {transform_indices = @transform_4, window_bounds = array<i64: 256, 256>}]} {
    %get3A = arith.constant 0 : index
    %get3A_0 = arith.constant 0 : index
    %get3A_1 = vector.load %arg1[%get3A, %get3A_0] : memref<256x4096xf32, #tpu.memory_space<vmem>>, vector<256x4096xf32>
    %ne3A = arith.constant 0.000000e+00 : f32
    %ne3A_2 = vector.broadcast %ne3A : f32 to vector<256x4096xf32>
    %ne3A_3 = arith.cmpf one, %get3A_1, %ne3A_2 : vector<256x4096xf32>
    %abs3A = math.absf %get3A_1 : vector<256x4096xf32>
    %sub3A = arith.constant 1.000000e+00 : f32
    %sub3A_4 = vector.broadcast %sub3A : f32 to vector<256x4096xf32>
    %sub3A_5 = arith.subf %abs3A, %sub3A_4 : vector<256x4096xf32>
    %jit3A = arith.constant 0.000000e+00 : f32
    %broadcast_in_dim3A = vector.broadcast %jit3A : f32 to vector<256x4096xf32>
    %select_n3A = arith.select %ne3A_3, %sub3A_5, %broadcast_in_dim3A : vector<256x4096xi1>, vector<256x4096xf32>
    %get3A_6 = arith.constant 0 : index
    %get3A_7 = arith.constant 0 : index
    %get3A_8 = vector.load %arg2[%get3A_6, %get3A_7] : memref<256x4096xf32, #tpu.memory_space<vmem>>, vector<256x4096xf32>
    %add3A = arith.addf %select_n3A, %get3A_8 : vector<256x4096xf32>
    %reduce_max3A = arith.constant dense<0xFF800000> : vector<256xf32>
    %reduce_max3A_9 = vector.multi_reduction <maximumf>, %add3A, %reduce_max3A [1] : vector<256x4096xf32> to vector<256xf32>
    %broadcast_in_dim3A_10 = vector.shape_cast %reduce_max3A_9 : vector<256xf32> to vector<256x1xf32>
    %sub3A_11 = vector.broadcast %broadcast_in_dim3A_10 : vector<256x1xf32> to vector<256x4096xf32>
    %sub3A_12 = arith.subf %add3A, %sub3A_11 : vector<256x4096xf32>
    %exp3A = math.exp %sub3A_12 : vector<256x4096xf32>
    %reduce_sum3A = arith.constant dense<0.000000e+00> : vector<256xf32>
    %reduce_sum3A_13 = vector.multi_reduction <add>, %exp3A, %reduce_sum3A [1] : vector<256x4096xf32> to vector<256xf32>
    %broadcast_in_dim3A_14 = vector.shape_cast %reduce_sum3A_13 : vector<256xf32> to vector<256x1xf32>
    %get3A_15 = arith.constant 0 : index
    %get3A_16 = arith.constant 0 : index
    %get3A_17 = vector.load %arg3[%get3A_15, %get3A_16] : memref<4096x256xf32, #tpu.memory_space<vmem>>, vector<4096x256xf32>
    %dot_general3A = arith.constant dense<0.000000e+00> : vector<256x256xf32>
    %dot_general3A_18 = tpu.matmul %exp3A, %get3A_17, %dot_general3A {dimension_numbers = #tpu.dot_dimension_numbers<[1], [0], [0], [1], [0, 0, 1, 1], [], []>, transpose_lhs_hint = false} : vector<256x4096xf32>, vector<4096x256xf32>, vector<256x256xf32> -> vector<256x256xf32>
    %div3A = vector.broadcast %broadcast_in_dim3A_14 : vector<256x1xf32> to vector<256x256xf32>
    %div3A_19 = arith.divf %dot_general3A_18, %div3A : vector<256x256xf32>
    %get3A_20 = arith.constant 0 : index
    %get3A_21 = arith.constant 0 : index
    %get3A_22 = vector.load %arg4[%get3A_20, %get3A_21] : memref<1x256xf32, #tpu.memory_space<vmem>>, vector<1x256xf32>
    %add3A_23 = vector.broadcast %get3A_22 : vector<1x256xf32> to vector<256x256xf32>
    %add3A_24 = arith.addf %div3A_19, %add3A_23 : vector<256x256xf32>
    %gt3A = arith.constant 0.000000e+00 : f32
    %gt3A_25 = vector.broadcast %gt3A : f32 to vector<256x256xf32>
    %gt3A_26 = arith.cmpf ogt, %add3A_24, %gt3A_25 : vector<256x256xf32>
    %exp3A_27 = math.exp %add3A_24 : vector<256x256xf32>
    %sub3A_28 = arith.constant 1.000000e+00 : f32
    %sub3A_29 = vector.broadcast %sub3A_28 : f32 to vector<256x256xf32>
    %sub3A_30 = arith.subf %exp3A_27, %sub3A_29 : vector<256x256xf32>
    %select_n3A_31 = arith.select %gt3A_26, %add3A_24, %sub3A_30 : vector<256x256xi1>, vector<256x256xf32>
    %swap3A = arith.constant 0 : index
    %swap3A_32 = arith.constant 0 : index
    %swap3A_33 = vector.load %arg5[%swap3A, %swap3A_32] : memref<256x256xf32, #tpu.memory_space<vmem>>, vector<256x256xf32>
    tpu.vector_store %arg5[%swap3A, %swap3A_32], %select_n3A_31 {strides = array<i32>} : memref<256x256xf32, #tpu.memory_space<vmem>>, vector<256x256xf32>,
    return
  }
  func.func @transform_0(%arg0: i32) -> (i32, i32) {
    %c0_i32 = arith.constant 0 : i32
    %c0_i32_0 = arith.constant 0 : i32
    return %arg0, %c0_i32 : i32, i32
  }
  func.func @transform_1(%arg0: i32) -> (i32, i32) {
    %c0_i32 = arith.constant 0 : i32
    %c0_i32_0 = arith.constant 0 : i32
    return %arg0, %c0_i32 : i32, i32
  }
  func.func @transform_2(%arg0: i32) -> (i32, i32) {
    %c0_i32 = arith.constant 0 : i32
    %c0_i32_0 = arith.constant 0 : i32
    %c0_i32_1 = arith.constant 0 : i32
    return %c0_i32, %c0_i32_0 : i32, i32
  }
  func.func @transform_3(%arg0: i32) -> (i32, i32) {
    %c0_i32 = arith.constant 0 : i32
    %c0_i32_0 = arith.constant 0 : i32
    %c0_i32_1 = arith.constant 0 : i32
    return %c0_i32, %c0_i32_0 : i32, i32
  }
  func.func @transform_4(%arg0: i32) -> (i32, i32) {
    %c0_i32 = arith.constant 0 : i32
    %c0_i32_0 = arith.constant 0 : i32
    return %arg0, %c0_i32 : i32, i32
  }
}

</mosaic_0001>

<sc_bundles>
// kernel: kernel.11.cloned.1.call-start
scs
__scs_entry_jumppad:
0x0: {  	(pc) =	sbr.rel $0x88, $3  }
0x1: {  	(tag) =	ssettag $0x0;
	lr =	simm.s32 $0x1  }
0x2: {  	[smem:$0x3F9A] =	sst lr;
	_ =	strace $0xD0000000  }
0x3: {  	_ = 	snop  }
0x4: {  	_ = 	snop  }
0x5: {  	_ = 	snop  }
0x6: {  	_ = 	snop  }
0x7: {  	_ = 	snop  }
__scs_overlays_trampoline_lowered:
0x8: {  	[smem:$0x3FA9] =	sst s0  }
0x9: {  	[smem:$0x3FAA] =	sst s1  }
0xa: {  	[smem:$0x3FAB] =	sst s2  }
0xb: {  	[smem:$0x3FAC] =	sst s3  }
0xc: {  	[smem:$0x3FAD] =	sst s4  }
0xd: {  	[smem:$0x3FAE] =	sst s5  }
0xe: {  	[smem:$0x3FAF] =	sst s6  }
0xf: {  	[smem:$0x3FB0] =	sst s7  }
0x10: {  	[smem:$0x3FB1] =	sst s8  }
0x11: {  	[smem:$0x3FB2] =	sst s9;
	s0 =	simm.s32 @!p0 $0x0  }
0x12: {  	s1 =	sld [smem:$0x3F98];
	s0 =	simm.s32 @p0 $0x1  }
0x13: {  	[smem:$0x3FB3] =	sst s0;
	s0 =	simm.s32 @!p1 $0x0  }
0x14: {  	s2 =	sld [smem:$0x3F97];
	s0 =	simm.s32 @p1 $0x1  }
0x15: {  	[smem:$0x3FB4] =	sst s0;
	s0 =	simm.s32 @!p2 $0x0  }
0x16: {  	s3 =	sld [smem:$0x3FDB];
	s0 =	simm.s32 @p2 $0x1  }
0x17: {  	s4 =	simm.s32 $0x1BF5;
	[smem:$0x3FB6] =	sst s0  }
0x18: {  	s0 =	sld [smem:$0x3F99];
	_ =	swait.ge [sflag:s4], $0x0  }
0x19: {  	s7 =	sld [smem:$0x3F9A]  }
0x1a: {  	s8 =	sadd.s32 $0xFFFFE003, lr  }
0x1b: {  	s9 =	sadd.s32 $0xFFFFFEF7, lr;
	s5 =	simm.s32 $0xFFFFFFFF;
	p2 =	slt.u32 s8, $0xFFFFF086  }
0x1c: {  	p1 =	slt.u32 s9, $0xF7A;
	s5 =	simm.s32 @!p2 $0x0  }
0x1d: {  	s5 =	simm.s32 @p1 $0x1;
	p0 =	seq.s32 s7, s2  }
0x1e: {  	s7 =	smul.u32 @!p0 $0xF7A, s2;
	p2 =	seq.s32 @!p0 s5, $0x0  }
0x1f: {  	s9 =	smul.u32 $0xF7A, s1;
	s8 =	simm.s32 @!p0 $0x1BF5;
	p2 =	por !p2, p0  }
0x20: {  	[sflag:s8] =	ssyncset.s32 @!p0 $0xFFFFF086;
	s6 =	sadd.s32 @!p0 s3, s7;
	s7 =	simm.s32 @!p0 $0x108  }
0x21: {  	s3 =	sadd.s32 s3, s9;
	s6 =	sadd.s32 @!p0 $0x88, s6;
	s7 =	simm.s32 @p2 $0x1082  }
0x22: {  	[simem:s7], [sflag:s8] =	dma.local @!p0 [hbm:s6], $0xF7A  }
0x23: {  	s9 =	sor.u32 $0xD0000000, s2;
	s6 =	simm.s32 $0x108;
	_ =	swait.ge @!p0 [sflag:s8], $0x0  }
0x24: {  	s3 =	sadd.s32 $0x88, s3;
	s6 =	simm.s32 @!p1 $0x1082;
	[sflag:s4] =	ssyncset.s32 $0xFFFFF086  }
0x25: {  	[simem:s6], [sflag:s4] =	dma.local [hbm:s3], $0xF7A  }
0x26: {  	[smem:$0x3F9A] =	sst s1;
	(tag) =	ssettag s2;
	_ =	strace s9  }
0x27: {  	s1 =	sld [smem:$0x3FAA]  }
0x28: {  	s2 =	sld [smem:$0x3FAB]  }
0x29: {  	s4 =	sld [smem:$0x3FAD]  }
0x2a: {  	p0 =	seq.s32 s5, $0x0;
	s5 =	sld [smem:$0x3FAE]  }
0x2b: {  	s6 =	sld [smem:$0x3FAF]  }
0x2c: {  	s7 =	sld [smem:$0x3FB0]  }
0x2d: {  	s3 =	simm.s32 $0x108;
	s8 =	sld [smem:$0x3FB1]  }
0x2e: {  	s3 =	simm.s32 @!p0 $0x1082;
	s9 =	sld [smem:$0x3FB2]  }
0x2f: {  	lr =	sadd.s32 s0, s3;
	s0 =	sld [smem:$0x3FA9]  }
0x30: {  	s3 =	sld [smem:$0x3FAC]  }
0x31: {  	[smem:$0x3FB5] =	sst s10  }
0x32: {  	s10 =	sld [smem:$0x3FB3];
	_ =	sdelay $0x3  }
0x33: {  	p0 =	seq.s32 s10, $0x1;
	s10 =	sld [smem:$0x3FB5];
	_ =	sdelay $0x3  }
0x34: {  	[smem:$0x3FB5] =	sst s10  }
0x35: {  	s10 =	sld [smem:$0x3FB4];
	_ =	sdelay $0x3  }
0x36: {  	p1 =	seq.s32 s10, $0x1;
	s10 =	sld [smem:$0x3FB5];
	_ =	sdelay $0x3  }
0x37: {  	[smem:$0x3FB5] =	sst s10  }
0x38: {  	s10 =	sld [smem:$0x3FB6]  }
0x39: {  	_ = 	snop;
	(pc) =	sbr.ind lr, $3  }
0x3a: {  	_ = 	snop  }
0x3b: {  	_ = 	snop  }
0x3c: {  	p2 =	seq.s32 s10, $0x1;
	s10 =	sld [smem:$0x3FB5]  }
0x3d: {  	_ =	shalt  }
0x3e: {  	_ =	shalt  }
0x3f: {  	_ =	shalt  }
0x40: {  	_ =	shalt  }
0x41: {  	_ =	shalt  }
0x42: {  	_ =	shalt  }
0x43: {  	_ =	shalt  }
0x44: {  	_ =	shalt  }
0x45: {  	_ =	shalt  }
0x46: {  	_ =	shalt  }
0x47: {  	_ =	shalt  }
0x48: {  	_ =	shalt  }
0x49: {  	_ =	shalt  }
0x4a: {  	_ =	shalt  }
0x4b: {  	_ =	shalt  }
0x4c: {  	_ =	shalt  }
0x4d: {  	_ =	shalt  }
0x4e: {  	_ =	shalt  }
0x4f: {  	_ =	shalt  }
0x50: {  	_ =	shalt  }
0x51: {  	_ =	shalt  }
0x52: {  	_ =	shalt  }
0x53: {  	_ =	shalt  }
0x54: {  	_ =	shalt  }
0x55: {  	_ =	shalt  }
0x56: {  	_ =	shalt  }
0x57: {  	_ =	shalt  }
0x58: {  	_ =	shalt  }
0x59: {  	_ =	shalt  }
0x5a: {  	_ =	shalt  }
0x5b: {  	_ =	shalt  }
0x5c: {  	_ =	shalt  }
0x5d: {  	_ =	shalt  }
0x5e: {  	_ =	shalt  }
0x5f: {  	_ =	shalt  }
0x60: {  	_ =	shalt  }
0x61: {  	_ =	shalt  }
0x62: {  	_ =	shalt  }
0x63: {  	_ =	shalt  }
0x64: {  	_ =	shalt  }
0x65: {  	_ =	shalt  }
0x66: {  	_ =	shalt  }
0x67: {  	_ =	shalt  }
0x68: {  	_ =	shalt  }
0x69: {  	_ =	shalt  }
0x6a: {  	_ =	shalt  }
0x6b: {  	_ =	shalt  }
0x6c: {  	_ =	shalt  }
0x6d: {  	_ =	shalt  }
0x6e: {  	_ =	shalt  }
0x6f: {  	_ =	shalt  }
0x70: {  	_ =	shalt  }
0x71: {  	_ =	shalt  }
0x72: {  	_ =	shalt  }
0x73: {  	_ =	shalt  }
0x74: {  	_ =	shalt  }
0x75: {  	_ =	shalt  }
0x76: {  	_ =	shalt  }
0x77: {  	_ =	shalt  }
0x78: {  	_ =	shalt  }
0x79: {  	_ =	shalt  }
0x7a: {  	_ =	shalt  }
0x7b: {  	_ =	shalt  }
0x7c: {  	_ =	shalt  }
0x7d: {  	_ =	shalt  }
0x7e: {  	_ =	shalt  }
0x7f: {  	_ =	shalt  }
0x80: {  	_ =	shalt  }
0x81: {  	_ =	shalt  }
0x82: {  	_ =	shalt  }
0x83: {  	_ =	shalt  }
0x84: {  	_ =	shalt  }
0x85: {  	_ =	shalt  }
0x86: {  	_ =	shalt  }
0x87: {  	_ =	shalt  }
.Lfunc_end0:
.L_simem_size_0:
called_computation.1_lowered:
.L_overlay_start_0:
0x88: {  	s2 =	sld [smem:$0x3FD9]  }
0x89: {  	s3 =	sld [smem:$0x3FFE];
	_ =	sdelay $0x1  }
0x8a: {  	s1 =	srdreg.scid  }
0x8b: {  	s0 =	sand.u32 $0x1, s1  }
0x8c: {  	s16 =	sshll.u32 s0, $0xA;
	s2 =	sadd.s32 s3, s2  }
0x8d: {  	s2 =	sadd.s32 s2, s16  }
0x8e: {  	[smem:$0x3FC1] =	sst s2  }
0x8f: {  	_ = 	snop  }
0x90: {  	(tm) =	ssettm $0x1  }
0x91: {  	s17 =	sld [smem:$0x3FFB];
	_ =	sdelay $0x3  }
0x92: {  	_ =	strace s17  }
0x93: {  	s2 =	sld [smem:$0x3FFC];
	_ =	sdelay $0x3  }
0x94: {  	_ =	strace s2  }
0x95: {  	s2 =	sld [smem:$0x3FFD];
	_ =	sdelay $0x3  }
0x96: {  	_ =	strace s2  }
0x97: {  	_ =	strace $0x8FFFFFFF  }
0x98: {  	s18 =	sld [smem:$0x3FDB];
	_ =	sdelay $0x1  }
0x99: {  	s19 =	simm.s32 $_scs_section_size  }
0x9a: {  	s4 =	simm.s32 $_size__tile_overlayer_lowered;
	s5 =	simm.s32 $_tile_overlayer_lowered  }
0x9b: {  	s22 =	simm.s32 $0x1BFF;
	s21 =	sshll.u32 s5, $0x1;
	s2 =	sadd.s32 s19, s18  }
0x9c: {  	s6 =	simm.s32 $0x0;
	s20 =	sshll.u32 s4, $0x1;
	s4 =	sadd.s32 s21, s2  }
0x9d: {  	[timem:s6], [sflag:s22] =	dma.local [hbm:s4], s20  }
0x9e: {  	_ =	swait.ge [sflag:s22], s20  }
0x9f: {  	s3 =	ssub.s32 $0x0, s20;
	[sflag:s22] =	ssyncset.done $0x0  }
0xa0: {  	[sflag:s22] =	ssyncadd.s32 s3;
	_ =	sdelay $0x1  }
0xa1: {  	s23 =	simm.s32 $0x1B8B  }
0xa2: {  	_ =	swait.ge [sflag:s23], $0x1  }
0xa3: {  	[sflag:s23] =	ssyncset.done $0x0  }
0xa4: {  	s25 =	simm.s32 $0x1B8E;
	s24 =	sld [smem:$0x3FFE];
	[sflag:s23] =	ssyncadd.s32 $0xFFFFFFFF  }
0xa5: {  	s26 =	simm.s32 $execute0_lowered;
	[smem:$0x3FD2] =	sst s25  }
0xa6: {  	s4 =	sshll.u32 s26, $0x1;
	_ =	strace $0x80000049;
	[dreg:$0x1] =	wrdreg $0xFFFFFFFF  }
0xa7: {  	s28 =	simm.s32 $_size_execute0_lowered;
	s2 =	sadd.s32 s2, s4;
	[dreg:$0x0] =	wrdreg $0x0  }
0xa8: {  	s4 =	sshll.u32 s28, $0x1;
	[dreg:$0x2] =	wrdreg s2  }
0xa9: {  	[dreg:$0x3] =	wrdreg s4  }
0xaa: {  	[dreg:$0x4] =	wrdreg $0xC0  }
0xab: {  	_ =	task [dreg:s6], $0x5FFFF  }
0xac: {  	[dreg:$0x1] =	wrdreg $0xFFFFFFFF  }
0xad: {  	[dreg:$0x0] =	wrdreg $0x60  }
0xae: {  	[dreg:$0x2] =	wrdreg s24  }
0xaf: {  	[dreg:$0x3] =	wrdreg $0x28000  }
0xb0: {  	[dreg:$0x4] =	wrdreg $0x9  }
0xb1: {  	_ =	task.clear_ibuf [dreg:s6], $0x5FFFF;
	_ =	strace $0x90000049  }
0xb2: {  	s29 =	simm.s32 $0x9;
	_ =	strace $0x8000004B  }
0xb3: {  	_ =	swait.ge [sflag:s29], $0x1  }
0xb4: {  	[sflag:s29] =	ssyncadd.s32 $0xFFFFFFFF  }
0xb5: {  	_ =	strace $0x9000004B  }
0xb6: {  	_ =	sfence  }
0xb7: {  	s30 =	sld [smem:$0x0];
	_ =	sdelay $0x2  }
0xb8: {  	s31 =	sshll.u32 s1, $0xD;
	s1 =	sshrl.u32 s1, $0x2  }
0xb9: {  	s3 =	sand.u32 $0x4000, s31;
	s1 =	sadd.s32 s1, s30  }
0xba: {  	s0 =	sor.u32 s3, s0;
	s1 =	sshll.u32 s1, $0x11  }
0xbb: {  	s0 =	sor.u32 s1, s0  }
0xbc: {  	s0 =	sadd.s32 $0x8F2B, s0  }
0xbd: {  	[sflag:s0] =	ssyncadd.remote.s32 $0x1  }
0xbe: {  	_ =	sfence.sel $0xFFFF  }
0xbf: {  	[dreg:$0x0] =	wrdreg $0xFFFFFFFF;
	(pc) =	sbr.abs _section_cstart, $3  }
0xc0: {  	[dreg:$0x1] =	wrdreg $0xFFFFFFFF  }
0xc1: {  	_ =	task.clear_ibuf [dreg:s6], $0x2FFFF;
	_ =	strace $0x9FFFFFFF  }
0xc2: {  	(tm) =	ssettm $0x7FFFFFFF  }
0xc3: {  	_ =	shalt  }
tec
execute0_lowered:
.L_overlay_start_1:
0x0: {  	(tag) =	ssettag $0x1  }
0x1: {  	s4 =	rddreg [dreg:$0x0]  }
0x2: {  	s1 =	rddreg [dreg:$0x1]  }
0x3: {  	s2 =	srdreg.scid;
	s7 =	stileid.u32  }
0x4: {  	s0 =	rddreg [dreg:$0x2];
	s10 =	simm.s32 $0x80;
	s11 =	simm.s32 $0x400  }
0x5: {  	s12 =	simm.s32 $0x2;
	s13 =	simm.s32 $0x800;
	s14 =	simm.s32 $0x1000  }
0x6: {  	s15 =	simm.s32 $0x2000;
	s16 =	simm.s32 $0x1;
	s17 =	simm.s32 $0x1800  }
0x7: {  	s18 =	simm.s32 $0x0;
	s3 =	sand.u32 $0x1, s2;
	s28 =	sshll.u32 s7, $0x5  }
0x8: {  	s5 =	sshll.u32 s7, $0x9;
	s2 =	simm.s32 $0x0;
	p0 =	sne.s32 s7, $0x0  }
0x9: {  	s6 =	sshll.u32 s3, $0x4;
	s8 =	sand.u32 $0x60, s28;
	s5 =	sand.u32 $0x1800, s5  }
0xa: {  	[smem:$0x7FF] =	sst s2;
	s29 =	ssub.s32 $0x2, s3;
	s6 =	sor.u32 s6, s8  }
0xb: {  	s3 =	sadd.s32 $0x7600, s4;
	s31 =	sshrl.u32 s29, $0x1;
	s5 =	sor.u32 s5, s6  }
0xc: {  	_ =	strace $0x8000004A;
	s9 =	ssub.s32 s29, s31;
	s30 =	sadd.s32 s5, s4  }
0xd: {  	s4 =	sadd.s32 $0x7800, s4;
	s8 =	smax.u32 s9, $0x1;
	s9 =	sshrl.u32 @!p0 s1, $0x3  }
0xe: {  	s5 =	sadd.s32 $0x3600, s30;
	s6 =	sadd.s32 $0x5600, s30;
	s7 =	sadd.s32 $0x1600, s30  }
.LBB2_1:
0xf: {  	s19 =	simm.s32 @!p0 $0x1C02  }
0x10: {  	[spmem:s9], [sflag:s19] =	dma.local @!p0 [hbm:s3], $0x80  }
0x11: {  	s19 =	simm.s32 @!p0 $0x2  }
0x12: {  	_ =	swait.ge @!p0 [sflag:s19], $0x80  }
0x13: {  	[sflag:s19] =	ssyncset.done @!p0 $0x0  }
0x14: {  	[sflag:s19] =	ssyncadd.s32 @!p0 $0xFFFFFF80  }
0x15: {  	[bflag:$0x0] =	sbarrier.arrive $0xFFFF  }
0x16: {  	[tilespmem:s2], [sflag:$0x2] =	stream.strided.gather [hbm4b:s5+s10], $0x800, s11, s10, $0x38;
	[tilespmem:$0x2840] =	vst v63  }
0x17: {  	_ =	swait.ge [sflag:s12], $0x800  }
0x18: {  	[sflag:s12] =	ssyncset.done $0x0  }
0x19: {  	[sflag:s12] =	ssyncadd.s32 $0xFFFFF800  }
0x1a: {  	[tilespmem:s13], [sflag:$0x2] =	stream.strided.gather [hbm4b:s6+s10], $0x800, s11, s10, $0x38;
	[tilespmem:$0x2840] =	vst v63  }
0x1b: {  	_ =	swait.ge [sflag:s12], $0x800  }
0x1c: {  	[sflag:s12] =	ssyncset.done $0x0  }
0x1d: {  	[sflag:s12] =	ssyncadd.s32 $0xFFFFF800  }
0x1e: {  	[tilespmem:s14], [sflag:$0x2] =	stream.strided.gather [hbm4b:s7+s10], $0x800, s11, s10, $0x38;
	[tilespmem:$0x2840] =	vst v63  }
0x1f: {  	_ =	swait.ge [sflag:s12], $0x800  }
0x20: {  	[sflag:s12] =	ssyncset.done $0x0  }
0x21: {  	s19 =	simm.s32 $0x0;
	[sflag:s12] =	ssyncadd.s32 $0xFFFFF800  }
0x22: {  	v0 =	vld [tilespmem:s19+$0x0]  }
0x23: {  	s20 =	simm.s32 $0x40;
	v1 =	vld [tilespmem:s19+$0x800]  }
.LBB2_2:
0x24: {  	p1 =	sne.s32 s20, $0x1FC0  }
.Ltmp0:
0x25: {  	_ = 	snop;
	(pc) =	sbr.rel @p1 .LBB2_2-.Ltmp0, $4  }
0x26: {  	_ = 	snop  }
0x27: {  	s21 =	sshra.s32 s20, $0x2;
	s20 =	sadd.s32 $0x40, s20;
	v2 =	vshll.u32 v0, $0xC  }
0x28: {  	v0 =	vld [tilespmem:s21+$0x0];
	v2 =	vadd.s32 v1, v2  }
0x29: {  	v1 =	vld [tilespmem:s21+$0x800];
	[tilespmem:s19+$0x1800] =	vst v2;
	s19 =	smov.u32 s21  }
0x2a: {  	_ =	sdelay $0x2  }
0x2b: {  	v0 =	vshll.u32 v0, $0xC  }
0x2c: {  	v0 =	vadd.s32 v1, v0  }
0x2d: {  	[tilespmem:s19+$0x1800] =	vst v0  }
0x2e: {  	[tilespmem:s15], [sflag:$0x1] =	stream.indirect.gather [spmem:s1], $0x1, s14, s13, $0xb8;
	[tilespmem:$0x2840] =	vst v63  }
0x2f: {  	s18 =	sadd.s32 $0x1, s18;
	_ =	swait.ge [sflag:s16], $0x800  }
0x30: {  	p1 =	sne.s32 s18, s8;
	[sflag:s16] =	ssyncset.done $0x0  }
.Ltmp1:
0x31: {  	[sflag:s16] =	ssyncadd.s32 $0xFFFFF800;
	(pc) =	sbr.rel @p1 .LBB2_1-.Ltmp1, $4  }
0x32: {  	[hbm4b:s4+s13] =	stream.indirect.scatter [tilespmem:s15], [sflag:$0x1], $0x1, s17, s13, $0xb8;
	[tilespmem:$0x2840] =	vst v63  }
0x33: {  	_ =	swait.ge [sflag:s16], $0x800  }
0x34: {  	[sflag:s16] =	ssyncset.done $0x0  }
0x35: {  	[sflag:s16] =	ssyncadd.s32 $0xFFFFF800  }
0x36: {  	_ =	sfence.sel $0x180000  }
0x37: {  	[bflag:$0x0] =	sbarrier.arrive $0xFFFF  }
0x38: {  	_ =	strace $0x9000004A  }
0x39: {  	s0 =	sadd.s32 @!p0 $0x100000, s0;
	[bflag:$0x2] =	sbarrier.arrive $0xFFFF  }
0x3a: {  	[sflag:s0] =	ssyncadd.tile.s32 @!p0 $0x1;
	_ =	shalt  }
.Lfunc_end2:
_tile_overlayer_lowered:
.L_overlay_start_2:
0x3b: {  	(tag) =	ssettag $0x2  }
0x3c: {  	s0 =	rddreg [dreg:$0x0];
	s2 =	stileid.u32  }
0x3d: {  	s1 =	rddreg [dreg:$0x1];
	p0 =	sne.s32 s2, $0x0  }
0x3e: {  	s3 =	rddreg [dreg:$0x2];
	[bflag:$0x3] =	sbarrier.arrive $0xFFFF;
	s2 =	simm.s32 @!p0 $0x1C02  }
0x3f: {  	[timem:s3], [sflag:s2] =	dma.local @!p0 [hbm:s0], s1  }
0x40: {  	s0 =	simm.s32 @!p0 $0x2  }
0x41: {  	_ =	swait.ge @!p0 [sflag:s0], s1  }
0x42: {  	s1 =	ssub.s32 @!p0 $0x0, s1;
	[sflag:s0] =	ssyncset.done @!p0 $0x0  }
0x43: {  	[sflag:s0] =	ssyncadd.s32 @!p0 s1  }
0x44: {  	[bflag:$0x3] =	sbarrier.arrive $0xFFFF  }
0x45: {  	_ =	shalt  }

// kernel: kernel.14.cloned.1.call-start
scs
__scs_entry_jumppad:
0x0: {  	(pc) =	sbr.rel $0x88, $3  }
0x1: {  	(tag) =	ssettag $0x0;
	lr =	simm.s32 $0x1  }
0x2: {  	[smem:$0x3F9A] =	sst lr;
	_ =	strace $0xD0000000  }
0x3: {  	_ = 	snop  }
0x4: {  	_ = 	snop  }
0x5: {  	_ = 	snop  }
0x6: {  	_ = 	snop  }
0x7: {  	_ = 	snop  }
__scs_overlays_trampoline_lowered:
0x8: {  	[smem:$0x3FA9] =	sst s0  }
0x9: {  	[smem:$0x3FAA] =	sst s1  }
0xa: {  	[smem:$0x3FAB] =	sst s2  }
0xb: {  	[smem:$0x3FAC] =	sst s3  }
0xc: {  	[smem:$0x3FAD] =	sst s4  }
0xd: {  	[smem:$0x3FAE] =	sst s5  }
0xe: {  	[smem:$0x3FAF] =	sst s6  }
0xf: {  	[smem:$0x3FB0] =	sst s7  }
0x10: {  	[smem:$0x3FB1] =	sst s8  }
0x11: {  	[smem:$0x3FB2] =	sst s9;
	s0 =	simm.s32 @!p0 $0x0  }
0x12: {  	s1 =	sld [smem:$0x3F98];
	s0 =	simm.s32 @p0 $0x1  }
0x13: {  	[smem:$0x3FB3] =	sst s0;
	s0 =	simm.s32 @!p1 $0x0  }
0x14: {  	s2 =	sld [smem:$0x3F97];
	s0 =	simm.s32 @p1 $0x1  }
0x15: {  	[smem:$0x3FB4] =	sst s0;
	s0 =	simm.s32 @!p2 $0x0  }
0x16: {  	s3 =	sld [smem:$0x3FDB];
	s0 =	simm.s32 @p2 $0x1  }
0x17: {  	s4 =	simm.s32 $0x1BF5;
	[smem:$0x3FB6] =	sst s0  }
0x18: {  	s0 =	sld [smem:$0x3F99];
	_ =	swait.ge [sflag:s4], $0x0  }
0x19: {  	s7 =	sld [smem:$0x3F9A]  }
0x1a: {  	s8 =	sadd.s32 $0xFFFFE003, lr  }
0x1b: {  	s9 =	sadd.s32 $0xFFFFFEF7, lr;
	s5 =	simm.s32 $0xFFFFFFFF;
	p2 =	slt.u32 s8, $0xFFFFF086  }
0x1c: {  	p1 =	slt.u32 s9, $0xF7A;
	s5 =	simm.s32 @!p2 $0x0  }
0x1d: {  	s5 =	simm.s32 @p1 $0x1;
	p0 =	seq.s32 s7, s2  }
0x1e: {  	s7 =	smul.u32 @!p0 $0xF7A, s2;
	p2 =	seq.s32 @!p0 s5, $0x0  }
0x1f: {  	s9 =	smul.u32 $0xF7A, s1;
	s8 =	simm.s32 @!p0 $0x1BF5;
	p2 =	por !p2, p0  }
0x20: {  	[sflag:s8] =	ssyncset.s32 @!p0 $0xFFFFF086;
	s6 =	sadd.s32 @!p0 s3, s7;
	s7 =	simm.s32 @!p0 $0x108  }
0x21: {  	s3 =	sadd.s32 s3, s9;
	s6 =	sadd.s32 @!p0 $0x88, s6;
	s7 =	simm.s32 @p2 $0x1082  }
0x22: {  	[simem:s7], [sflag:s8] =	dma.local @!p0 [hbm:s6], $0xF7A  }
0x23: {  	s9 =	sor.u32 $0xD0000000, s2;
	s6 =	simm.s32 $0x108;
	_ =	swait.ge @!p0 [sflag:s8], $0x0  }
0x24: {  	s3 =	sadd.s32 $0x88, s3;
	s6 =	simm.s32 @!p1 $0x1082;
	[sflag:s4] =	ssyncset.s32 $0xFFFFF086  }
0x25: {  	[simem:s6], [sflag:s4] =	dma.local [hbm:s3], $0xF7A  }
0x26: {  	[smem:$0x3F9A] =	sst s1;
	(tag) =	ssettag s2;
	_ =	strace s9  }
0x27: {  	s1 =	sld [smem:$0x3FAA]  }
0x28: {  	s2 =	sld [smem:$0x3FAB]  }
0x29: {  	s4 =	sld [smem:$0x3FAD]  }
0x2a: {  	p0 =	seq.s32 s5, $0x0;
	s5 =	sld [smem:$0x3FAE]  }
0x2b: {  	s6 =	sld [smem:$0x3FAF]  }
0x2c: {  	s7 =	sld [smem:$0x3FB0]  }
0x2d: {  	s3 =	simm.s32 $0x108;
	s8 =	sld [smem:$0x3FB1]  }
0x2e: {  	s3 =	simm.s32 @!p0 $0x1082;
	s9 =	sld [smem:$0x3FB2]  }
0x2f: {  	lr =	sadd.s32 s0, s3;
	s0 =	sld [smem:$0x3FA9]  }
0x30: {  	s3 =	sld [smem:$0x3FAC]  }
0x31: {  	[smem:$0x3FB5] =	sst s10  }
0x32: {  	s10 =	sld [smem:$0x3FB3];
	_ =	sdelay $0x3  }
0x33: {  	p0 =	seq.s32 s10, $0x1;
	s10 =	sld [smem:$0x3FB5];
	_ =	sdelay $0x3  }
0x34: {  	[smem:$0x3FB5] =	sst s10  }
0x35: {  	s10 =	sld [smem:$0x3FB4];
	_ =	sdelay $0x3  }
0x36: {  	p1 =	seq.s32 s10, $0x1;
	s10 =	sld [smem:$0x3FB5];
	_ =	sdelay $0x3  }
0x37: {  	[smem:$0x3FB5] =	sst s10  }
0x38: {  	s10 =	sld [smem:$0x3FB6]  }
0x39: {  	_ = 	snop;
	(pc) =	sbr.ind lr, $3  }
0x3a: {  	_ = 	snop  }
0x3b: {  	_ = 	snop  }
0x3c: {  	p2 =	seq.s32 s10, $0x1;
	s10 =	sld [smem:$0x3FB5]  }
0x3d: {  	_ =	shalt  }
0x3e: {  	_ =	shalt  }
0x3f: {  	_ =	shalt  }
0x40: {  	_ =	shalt  }
0x41: {  	_ =	shalt  }
0x42: {  	_ =	shalt  }
0x43: {  	_ =	shalt  }
0x44: {  	_ =	shalt  }
0x45: {  	_ =	shalt  }
0x46: {  	_ =	shalt  }
0x47: {  	_ =	shalt  }
0x48: {  	_ =	shalt  }
0x49: {  	_ =	shalt  }
0x4a: {  	_ =	shalt  }
0x4b: {  	_ =	shalt  }
0x4c: {  	_ =	shalt  }
0x4d: {  	_ =	shalt  }
0x4e: {  	_ =	shalt  }
0x4f: {  	_ =	shalt  }
0x50: {  	_ =	shalt  }
0x51: {  	_ =	shalt  }
0x52: {  	_ =	shalt  }
0x53: {  	_ =	shalt  }
0x54: {  	_ =	shalt  }
0x55: {  	_ =	shalt  }
0x56: {  	_ =	shalt  }
0x57: {  	_ =	shalt  }
0x58: {  	_ =	shalt  }
0x59: {  	_ =	shalt  }
0x5a: {  	_ =	shalt  }
0x5b: {  	_ =	shalt  }
0x5c: {  	_ =	shalt  }
0x5d: {  	_ =	shalt  }
0x5e: {  	_ =	shalt  }
0x5f: {  	_ =	shalt  }
0x60: {  	_ =	shalt  }
0x61: {  	_ =	shalt  }
0x62: {  	_ =	shalt  }
0x63: {  	_ =	shalt  }
0x64: {  	_ =	shalt  }
0x65: {  	_ =	shalt  }
0x66: {  	_ =	shalt  }
0x67: {  	_ =	shalt  }
0x68: {  	_ =	shalt  }
0x69: {  	_ =	shalt  }
0x6a: {  	_ =	shalt  }
0x6b: {  	_ =	shalt  }
0x6c: {  	_ =	shalt  }
0x6d: {  	_ =	shalt  }
0x6e: {  	_ =	shalt  }
0x6f: {  	_ =	shalt  }
0x70: {  	_ =	shalt  }
0x71: {  	_ =	shalt  }
0x72: {  	_ =	shalt  }
0x73: {  	_ =	shalt  }
0x74: {  	_ =	shalt  }
0x75: {  	_ =	shalt  }
0x76: {  	_ =	shalt  }
0x77: {  	_ =	shalt  }
0x78: {  	_ =	shalt  }
0x79: {  	_ =	shalt  }
0x7a: {  	_ =	shalt  }
0x7b: {  	_ =	shalt  }
0x7c: {  	_ =	shalt  }
0x7d: {  	_ =	shalt  }
0x7e: {  	_ =	shalt  }
0x7f: {  	_ =	shalt  }
0x80: {  	_ =	shalt  }
0x81: {  	_ =	shalt  }
0x82: {  	_ =	shalt  }
0x83: {  	_ =	shalt  }
0x84: {  	_ =	shalt  }
0x85: {  	_ =	shalt  }
0x86: {  	_ =	shalt  }
0x87: {  	_ =	shalt  }
.Lfunc_end0:
.L_simem_size_0:
called_computation.2_lowered:
.L_overlay_start_0:
0x88: {  	s2 =	sld [smem:$0x3FD9]  }
0x89: {  	s3 =	sld [smem:$0x3FFE];
	_ =	sdelay $0x1  }
0x8a: {  	s1 =	srdreg.scid  }
0x8b: {  	s0 =	sand.u32 $0x1, s1  }
0x8c: {  	s17 =	sshll.u32 s0, $0xA;
	s2 =	sadd.s32 s3, s2  }
0x8d: {  	s2 =	sadd.s32 s2, s17  }
0x8e: {  	[smem:$0x3FC1] =	sst s2  }
0x8f: {  	_ = 	snop  }
0x90: {  	s2 =	sld [smem:$0x3FD0];
	(tm) =	ssettm $0x1  }
0x91: {  	s18 =	sld [smem:$0x3FFB];
	_ =	sdelay $0x3  }
0x92: {  	_ =	strace s18  }
0x93: {  	s3 =	sld [smem:$0x3FFC];
	_ =	sdelay $0x3  }
0x94: {  	_ =	strace s3  }
0x95: {  	s3 =	sld [smem:$0x3FFD];
	_ =	sdelay $0x3  }
0x96: {  	_ =	strace s3  }
0x97: {  	_ =	strace $0x8FFFFFFF  }
0x98: {  	s19 =	sld [smem:$0x3FDB];
	_ =	sdelay $0x1  }
0x99: {  	s4 =	simm.s32 $_scs_section_size  }
0x9a: {  	s5 =	simm.s32 $_size__tile_overlayer_lowered;
	s6 =	simm.s32 $_tile_overlayer_lowered  }
0x9b: {  	s22 =	simm.s32 $0x1BFF;
	s21 =	sshll.u32 s6, $0x1;
	s3 =	sadd.s32 s4, s19  }
0x9c: {  	s7 =	simm.s32 $0x0;
	s20 =	sshll.u32 s5, $0x1;
	s5 =	sadd.s32 s21, s3  }
0x9d: {  	[timem:s7], [sflag:s22] =	dma.local [hbm:s5], s20  }
0x9e: {  	_ =	swait.ge [sflag:s22], s20  }
0x9f: {  	s4 =	ssub.s32 $0x0, s20;
	[sflag:s22] =	ssyncset.done $0x0  }
0xa0: {  	[sflag:s22] =	ssyncadd.s32 s4;
	_ =	sdelay $0x1  }
0xa1: {  	s23 =	simm.s32 $0x1B8B  }
0xa2: {  	_ =	swait.ge [sflag:s23], $0x1  }
0xa3: {  	[sflag:s23] =	ssyncset.done $0x0  }
0xa4: {  	s25 =	simm.s32 $0x1B8E;
	s24 =	sld [smem:$0x3FFE];
	[sflag:s23] =	ssyncadd.s32 $0xFFFFFFFF  }
0xa5: {  	s26 =	simm.s32 $execute0_lowered;
	[smem:$0x3FD2] =	sst s25  }
0xa6: {  	s5 =	sshll.u32 s26, $0x1;
	_ =	strace $0x8000004C;
	[dreg:$0x1] =	wrdreg $0xFFFFFFFF  }
0xa7: {  	s28 =	simm.s32 $_size_execute0_lowered;
	s3 =	sadd.s32 s3, s5;
	[dreg:$0x0] =	wrdreg $0x0  }
0xa8: {  	s5 =	sshll.u32 s28, $0x1;
	[dreg:$0x2] =	wrdreg s3  }
0xa9: {  	[dreg:$0x3] =	wrdreg s5  }
0xaa: {  	[dreg:$0x4] =	wrdreg $0xC0  }
0xab: {  	_ =	task [dreg:s7], $0x5FFFF  }
0xac: {  	[dreg:$0x1] =	wrdreg $0xFFFFFFFF  }
0xad: {  	[dreg:$0x0] =	wrdreg $0x60  }
0xae: {  	[dreg:$0x2] =	wrdreg s24  }
0xaf: {  	[dreg:$0x3] =	wrdreg s2  }
0xb0: {  	[dreg:$0x4] =	wrdreg $0x68000  }
0xb1: {  	[dreg:$0x5] =	wrdreg $0x9  }
0xb2: {  	_ =	task.clear_ibuf [dreg:s7], $0x6FFFF;
	_ =	strace $0x9000004C  }
0xb3: {  	s29 =	simm.s32 $0x9;
	_ =	strace $0x8000004E  }
0xb4: {  	_ =	swait.ge [sflag:s29], $0x1  }
0xb5: {  	[sflag:s29] =	ssyncadd.s32 $0xFFFFFFFF  }
0xb6: {  	_ =	strace $0x9000004E  }
0xb7: {  	_ =	sfence  }
0xb8: {  	s30 =	sld [smem:$0x0];
	_ =	sdelay $0x2  }
0xb9: {  	s31 =	sshll.u32 s1, $0xD;
	s1 =	sshrl.u32 s1, $0x2  }
0xba: {  	s3 =	sand.u32 $0x4000, s31;
	s1 =	sadd.s32 s1, s30  }
0xbb: {  	s0 =	sor.u32 s3, s0;
	s1 =	sshll.u32 s1, $0x11  }
0xbc: {  	s0 =	sor.u32 s1, s0  }
0xbd: {  	s0 =	sadd.s32 $0x8F2B, s0  }
0xbe: {  	[sflag:s0] =	ssyncadd.remote.s32 $0x1  }
0xbf: {  	_ =	sfence.sel $0xFFFF  }
0xc0: {  	[dreg:$0x0] =	wrdreg $0xFFFFFFFF;
	(pc) =	sbr.abs _section_cstart, $3  }
0xc1: {  	[dreg:$0x1] =	wrdreg $0xFFFFFFFF  }
0xc2: {  	_ =	task.clear_ibuf [dreg:s7], $0x2FFFF;
	_ =	strace $0x9FFFFFFF  }
0xc3: {  	(tm) =	ssettm $0x7FFFFFFF  }
tec
execute0_lowered:
.L_overlay_start_1:
0x0: {  	(tag) =	ssettag $0x1  }
0x1: {  	s1 =	rddreg [dreg:$0x0]  }
0x2: {  	s0 =	srdreg.scid;
	s8 =	rddreg [dreg:$0x1]  }
0x3: {  	s11 =	stileid.u32;
	s13 =	rddreg [dreg:$0x2];
	s14 =	simm.s32 $0x400  }
0x4: {  	s15 =	simm.s32 $0x5;
	s16 =	simm.s32 $0x6000;
	s17 =	simm.s32 $0x800  }
0x5: {  	s18 =	simm.s32 $0x1;
	s21 =	simm.s32 $0x2800;
	s22 =	simm.s32 $0xC00  }
0x6: {  	s23 =	simm.s32 $0x2C00;
	s24 =	simm.s32 $0x2;
	s25 =	simm.s32 $0x3  }
0x7: {  	s26 =	simm.s32 $0x4;
	s28 =	simm.s32 $0x3000;
	s29 =	simm.s32 $0x4000  }
0x8: {  	s30 =	simm.s32 $0x0;
	s0 =	sand.u32 $0x1, s0;
	s2 =	sshll.u32 s11, $0x8  }
0x9: {  	s4 =	sshrl.u32 s11, $0x2;
	s12 =	sshll.u32 s11, $0xD;
	p0 =	sne.s32 s11, $0x0  }
0xa: {  	s3 =	sshll.u32 s0, $0x7;
	s5 =	sshll.u32 s4, $0xE;
	s4 =	sshll.u32 s4, $0xF  }
0xb: {  	s31 =	ssub.s32 $0x2, s0;
	s0 =	sshll.u32 s0, $0xC;
	s2 =	sor.u32 s3, s2  }
0xc: {  	s6 =	sshrl.u32 s31, $0x1;
	s0 =	sor.u32 s0, s12;
	s12 =	sshrl.u32 @!p0 s13, $0x3  }
0xd: {  	s13 =	simm.s32 $0x80;
	s3 =	sand.u32 $0x380, s2;
	s2 =	simm.s32 $0x0  }
0xe: {  	s10 =	ssub.s32 s31, s6;
	s5 =	sor.u32 s5, s3;
	[smem:$0x7FF] =	sst s2  }
0xf: {  	s4 =	sor.u32 s4, s3;
	s3 =	sadd.s32 $0x7600, s1;
	s10 =	smax.u32 s10, $0x1  }
0x10: {  	s5 =	sshrl.u32 s5, $0x3;
	_ =	strace $0x8000004D;
	s9 =	sshrl.u32 s4, $0x3  }
0x11: {  	s4 =	sadd.s32 $0x7800, s1;
	s7 =	sadd.s32 s5, s1;
	s1 =	sadd.s32 s9, s1  }
0x12: {  	s8 =	sadd.s32 s8, s9;
	s5 =	sadd.s32 $0x5600, s7;
	s6 =	sadd.s32 $0x3600, s7  }
0x13: {  	v0 =	vlaneseq.u32;
	s7 =	sadd.s32 $0x1600, s7;
	s9 =	sadd.s32 $0x20B800, s1;
	s1 =	sor.u32 $0x1000000, s0  }
.LBB2_1:
0x14: {  	s0 =	simm.s32 @!p0 $0x1C05  }
0x15: {  	[spmem:s12], [sflag:s0] =	dma.local @!p0 [hbm:s3], $0x80  }
0x16: {  	s0 =	simm.s32 @!p0 $0x5  }
0x17: {  	_ =	swait.ge @!p0 [sflag:s0], $0x80  }
0x18: {  	[sflag:s0] =	ssyncset.done @!p0 $0x0  }
0x19: {  	[sflag:s0] =	ssyncadd.s32 @!p0 $0xFFFFFF80  }
0x1a: {  	s0 =	simm.s32 $0x5000;
	[bflag:$0x0] =	sbarrier.arrive $0xFFFF  }
0x1b: {  	[tilespmem:s0], [sflag:$0x5] =	stream.strided.gather [hbm4b:s5+s13], $0x800, s14, s13, $0x38;
	[tilespmem:$0x6840] =	vst v63  }
0x1c: {  	_ =	swait.ge [sflag:s15], $0x800  }
0x1d: {  	[sflag:s15] =	ssyncset.done $0x0  }
0x1e: {  	s31 =	simm.s32 $0x5800;
	[sflag:s15] =	ssyncadd.s32 $0xFFFFF800  }
0x1f: {  	[tilespmem:s31], [sflag:$0x5] =	stream.strided.gather [hbm4b:s6+s13], $0x800, s14, s13, $0x38;
	[tilespmem:$0x6840] =	vst v63  }
0x20: {  	_ =	swait.ge [sflag:s15], $0x800  }
0x21: {  	[sflag:s15] =	ssyncset.done $0x0  }
0x22: {  	[sflag:s15] =	ssyncadd.s32 $0xFFFFF800  }
0x23: {  	[tilespmem:s16], [sflag:$0x5] =	stream.strided.gather [hbm4b:s7+s13], $0x800, s14, s13, $0x38;
	[tilespmem:$0x6840] =	vst v63  }
0x24: {  	_ =	swait.ge [sflag:s15], $0x800  }
0x25: {  	[sflag:s15] =	ssyncset.done $0x0  }
0x26: {  	[sflag:s15] =	ssyncadd.s32 $0xFFFFF800  }
0x27: {  	v1 =	vld [tilespmem:s0+$0x0]  }
0x28: {  	v2 =	vld [tilespmem:s31+$0x0];
	_ =	sdelay $0x3  }
0x29: {  	v1 =	vshll.u32 v1, $0xC  }
0x2a: {  	v1 =	vadd.s32 v2, v1  }
0x2b: {  	[tilespmem:s2+$0x0] =	vst v1  }
0x2c: {  	v1 =	vld [tilespmem:s31+$0x0]  }
0x2d: {  	v2 =	vld [tilespmem:s0+$0x0];
	_ =	sdelay $0x3  }
0x2e: {  	v1 =	vshll.u32 v1, $0xC  }
0x2f: {  	s11 =	simm.s32 $0x10;
	s20 =	sand.u32 $0x7F0, s2;
	s19 =	simm.s32 $0x0;
	v1 =	vadd.s32 v2, v1  }
.LBB2_2:
0x30: {  	[tilespmem:s20+$0x800] =	vst v1;
	s0 =	sadd.s32 $0x10, s0;
	s31 =	sadd.s32 $0x10, s31;
	s19 =	sadd.s32 $0x10, s19  }
0x31: {  	p1 =	sne.s32 s11, $0x7F0;
	s20 =	smov.u32 s11;
	s11 =	sadd.s32 $0x10, s11;
	v1 =	vld [tilespmem:s0+$0x0]  }
0x32: {  	v2 =	vld [tilespmem:s31+$0x0];
	_ =	sdelay $0x3  }
0x33: {  	v1 =	vshll.u32 v1, $0xC  }
0x34: {  	v1 =	vadd.s32 v2, v1  }
0x35: {  	[tilespmem:s19+$0x0] =	vst v1  }
0x36: {  	v1 =	vld [tilespmem:s31+$0x0]  }
0x37: {  	v2 =	vld [tilespmem:s0+$0x0]  }
.Ltmp0:
0x38: {  	(pc) =	sbr.rel @p1 .LBB2_2-.Ltmp0, $3  }
0x39: {  	_ =	sdelay $0x1  }
0x3a: {  	v1 =	vshll.u32 v1, $0xC  }
0x3b: {  	s20 =	sand.u32 $0x7F0, s20;
	v1 =	vadd.s32 v2, v1  }
0x3c: {  	[tilespmem:s20+$0x800] =	vst v1;
	s0 =	simm.s32 $0x2000;
	s11 =	rddreg [dreg:$0x2]  }
0x3d: {  	[tilespmem:s0], [sflag:$0x1] =	stream.indirect.gather [spmem:s11], $0x1, s16, s17, $0xb8;
	[tilespmem:$0x6840] =	vst v63  }
0x3e: {  	_ =	swait.ge [sflag:s18], $0x800  }
0x3f: {  	[sflag:s18] =	ssyncset.done $0x0  }
0x40: {  	[sflag:s18] =	ssyncadd.s32 $0xFFFFF800  }
0x41: {  	v1 =	vld [tilespmem:s0+$0x0];
	_ =	sdelay $0x4  }
0x42: {  	v2 =	vsub.f32 $0.0e+00, v1  }
0x43: {  	s20 =	simm.s32 $0x0;
	s0 =	simm.s32 $0x1000  }
0x44: {  	s11 =	sand.u32 $0x7F0, s20;
	[tilespmem:s0+$0x0] =	vst v2  }
0x45: {  	s19 =	simm.s32 $0x2010;
	[tilespmem:s11+$0x1800] =	vst v1  }
0x46: {  	v1 =	vld [tilespmem:s19+$0x0]  }
0x47: {  	s31 =	simm.s32 $0x20;
	s11 =	simm.s32 $0x10  }
.LBB2_4:
0x48: {  	p1 =	sne.s32 s31, $0x7F0;
	_ =	sdelay $0x2  }
0x49: {  	v2 =	vsub.f32 $0.0e+00, v1  }
.Ltmp1:
0x4a: {  	s0 =	sadd.s32 $0x10, s0;
	(pc) =	sbr.rel @p1 .LBB2_4-.Ltmp1, $4  }
0x4b: {  	s20 =	sand.u32 $0x7F0, s11;
	s11 =	smov.u32 s31;
	[tilespmem:s0+$0x0] =	vst v2  }
0x4c: {  	s19 =	sadd.s32 $0x10, s19;
	[tilespmem:s20+$0x1800] =	vst v1  }
0x4d: {  	v1 =	vld [tilespmem:s19+$0x0]  }
0x4e: {  	s31 =	sadd.s32 $0x10, s31  }
0x4f: {  	_ =	sdelay $0x2  }
0x50: {  	v2 =	vsub.f32 $0.0e+00, v1  }
0x51: {  	s0 =	sadd.s32 $0x10, s0  }
0x52: {  	s20 =	sand.u32 $0x7F0, s11;
	[tilespmem:s0+$0x0] =	vst v2  }
0x53: {  	s11 =	simm.s32 $0x0;
	s19 =	simm.s32 $0x2000;
	[tilespmem:s20+$0x1800] =	vst v1  }
0x54: {  	[tilespmem:s19], [sflag:$0x1] =	stream.indirect.gather [hbm4b:s4+s14], $0x1, s11, s14, $0xb8;
	[tilespmem:$0x6840] =	vst v63  }
0x55: {  	s20 =	simm.s32 $0x2400  }
0x56: {  	[tilespmem:s20], [sflag:$0x2] =	stream.indirect.gather [hbm4b:s4+s14], $0x1, s14, s14, $0xb8;
	[tilespmem:$0x6840] =	vst v63  }
0x57: {  	_ = 	snop  }
0x58: {  	[tilespmem:s21], [sflag:$0x3] =	stream.indirect.gather [hbm4b:s4+s14], $0x1, s17, s14, $0xb8;
	[tilespmem:$0x6840] =	vst v63  }
0x59: {  	_ = 	snop  }
0x5a: {  	[tilespmem:s23], [sflag:$0x4] =	stream.indirect.gather [hbm4b:s4+s14], $0x1, s22, s14, $0xb8;
	[tilespmem:$0x6840] =	vst v63  }
0x5b: {  	_ =	swait.ge [sflag:s18], $0x400  }
0x5c: {  	[sflag:s18] =	ssyncset.done $0x0  }
0x5d: {  	[sflag:s18] =	ssyncadd.s32 $0xFFFFFC00  }
0x5e: {  	_ =	swait.ge [sflag:s24], $0x400  }
0x5f: {  	[sflag:s24] =	ssyncset.done $0x0  }
0x60: {  	[sflag:s24] =	ssyncadd.s32 $0xFFFFFC00  }
0x61: {  	_ =	swait.ge [sflag:s25], $0x400  }
0x62: {  	[sflag:s25] =	ssyncset.done $0x0  }
0x63: {  	[sflag:s25] =	ssyncadd.s32 $0xFFFFFC00  }
0x64: {  	_ =	swait.ge [sflag:s26], $0x400  }
0x65: {  	[sflag:s26] =	ssyncset.done $0x0  }
0x66: {  	s0 =	simm.s32 $0x0;
	[sflag:s26] =	ssyncadd.s32 $0xFFFFFC00  }
0x67: {  	v1 =	vld [tilespmem:s0+$0x2000]  }
0x68: {  	v2 =	vld [tilespmem:s0+$0x1000];
	_ =	sdelay $0x4  }
0x69: {  	vm0 =	vlt.f32 v2, $0.0e+00;
	vm1 =	vlt.f32 v1, v2;
	v4 =	vadd.f32 v2, v1  }
0x6a: {  	s31 =	simm.s32 $0x10;
	v3 =	vld [tilespmem:s0+$0x0];
	vm2 =	vlt.f32 v1, $0.0e+00;
	vm3 =	vgt.f32 v1, $0.0e+00;
	vm4 =	vmneg vm0  }
0x6b: {  	vm0 =	vmand vm0, vm2;
	vm2 =	vmand vm4, vm3;
	vm3 =	vgt.f32 v1, v2;
	v1 =	vld [tilespmem:s31+$0x2000]  }
0x6c: {  	v2 =	vld [tilespmem:s31+$0x1000];
	_ =	sdelay $0x1  }
0x6d: {  	v4 =	vmul.f32 $5.000000000e-01, v4;
	vm0 =	vmor vm0, vm2;
	vm1 =	vmor vm3, vm1  }
0x6e: {  	v5 =	vor.u32 s1, v0;
	s19 =	simm.s32 $0x80;
	s11 =	smov.u32 s1;
	vm0 =	vmand vm1, vm0  }
.LBB2_6:
0x6f: {  	s20 =	sshra.s32 s19, $0x2;
	v7 =	vsel vm0, v3, v5;
	v3 =	vld [tilespmem:s31+$0x0];
	[tilespmem:s0+$0x4000] =	vst v4;
	v4 =	vmov v1;
	p1 =	sne.s32 s19, $0x3FC0  }
.Ltmp2:
0x70: {  	s19 =	sadd.s32 $0x40, s19;
	v1 =	vld [tilespmem:s20+$0x2000];
	vm0 =	vlt.f32 v2, $0.0e+00;
	vm1 =	vlt.f32 v4, v2;
	v6 =	vadd.f32 v2, v4;
	[tilespmem:s0+$0x3000] =	vst v7;
	v5 =	vmovc v2;
	(pc) =	sbr.rel @p1 .LBB2_6-.Ltmp2, $4  }
0x71: {  	vm2 =	vlt.f32 v4, $0.0e+00;
	vm3 =	vgt.f32 v4, $0.0e+00;
	s0 =	smov.u32 s31;
	s31 =	smov.u32 s20;
	v2 =	vld [tilespmem:s20+$0x1000];
	vm4 =	vmneg vm0  }
0x72: {  	vm0 =	vmand vm0, vm2;
	vm2 =	vmand vm4, vm3;
	vm3 =	vgt.f32 v4, v5  }
0x73: {  	s11 =	sadd.s32 $0x10, s11;
	v4 =	vmul.f32 $5.000000000e-01, v6;
	vm0 =	vmor vm0, vm2;
	vm1 =	vmor vm3, vm1  }
0x74: {  	v5 =	vor.u32 s11, v0;
	vm0 =	vmand vm1, vm0  }
0x75: {  	v3 =	vsel vm0, v3, v5  }
0x76: {  	v63 =	vld [tilespmem:s31+$0x0];
	vm1 =	vlt.f32 v1, $0.0e+00;
	vm2 =	vgt.f32 v1, $0.0e+00;
	vm13 =	vlt.f32 v2, $0.0e+00  }
0x77: {  	v6 =	vadd.f32 v2, v1;
	vm14 =	vlt.f32 v1, v2;
	vm0 =	vmneg vm13  }
0x78: {  	vm3 =	vgt.f32 v1, v2;
	vm1 =	vmand vm13, vm1;
	vm0 =	vmand vm0, vm2  }
0x79: {  	[tilespmem:s0+$0x4000] =	vst v4;
	s11 =	sadd.s32 $0x10, s11;
	vm15 =	vmor vm3, vm14;
	v1 =	vmul.f32 $5.000000000e-01, v6;
	vm0 =	vmor vm1, vm0  }
0x7a: {  	[tilespmem:s0+$0x3000] =	vst v3;
	v2 =	vor.u32 s11, v0;
	vm0 =	vmand vm15, vm0  }
0x7b: {  	[tilespmem:s31+$0x4000] =	vst v1;
	v2 =	vsel vm0, v63, v2  }
0x7c: {  	[tilespmem:s31+$0x3000] =	vst v2  }
0x7d: {  	[hbm4b:s8+s13] =	stream.strided.scatter [tilespmem:s28], [sflag:$0x5], $0x1000, s14, s13, $0x38;
	[tilespmem:$0x6840] =	vst v63  }
0x7e: {  	s30 =	sadd.s32 $0x1, s30;
	_ =	swait.ge [sflag:s15], $0x1000  }
0x7f: {  	p1 =	sne.s32 s30, s10;
	[sflag:s15] =	ssyncset.done $0x0  }
.Ltmp3:
0x80: {  	[sflag:s15] =	ssyncadd.s32 $0xFFFFF000;
	(pc) =	sbr.rel @p1 .LBB2_1-.Ltmp3, $4  }
0x81: {  	[hbm4b:s9+s13] =	stream.strided.scatter [tilespmem:s29], [sflag:$0x5], $0x1000, s14, s13, $0x38;
	[tilespmem:$0x6840] =	vst v63  }
0x82: {  	_ =	swait.ge [sflag:s15], $0x1000  }
0x83: {  	[sflag:s15] =	ssyncset.done $0x0  }
0x84: {  	[sflag:s15] =	ssyncadd.s32 $0xFFFFF000  }
0x85: {  	_ =	sfence.sel $0x180000  }
0x86: {  	[bflag:$0x0] =	sbarrier.arrive $0xFFFF  }
0x87: {  	_ =	strace $0x9000004D  }
0x88: {  	[bflag:$0x2] =	sbarrier.arrive $0xFFFF  }
0x89: {  	s0 =	rddreg [dreg:$0x3]  }
0x8a: {  	s0 =	sadd.s32 @!p0 $0x100000, s0  }
0x8b: {  	[sflag:s0] =	ssyncadd.tile.s32 @!p0 $0x1;
	_ =	shalt  }
.Lfunc_end2:
_tile_overlayer_lowered:
.L_overlay_start_2:
0x8c: {  	(tag) =	ssettag $0x2  }
0x8d: {  	s0 =	rddreg [dreg:$0x0];
	s2 =	stileid.u32  }
0x8e: {  	s1 =	rddreg [dreg:$0x1];
	p0 =	sne.s32 s2, $0x0  }
0x8f: {  	s3 =	rddreg [dreg:$0x2];
	[bflag:$0x3] =	sbarrier.arrive $0xFFFF;
	s2 =	simm.s32 @!p0 $0x1C05  }
0x90: {  	[timem:s3], [sflag:s2] =	dma.local @!p0 [hbm:s0], s1  }
0x91: {  	s0 =	simm.s32 @!p0 $0x5  }
0x92: {  	_ =	swait.ge @!p0 [sflag:s0], s1  }
0x93: {  	s1 =	ssub.s32 @!p0 $0x0, s1;
	[sflag:s0] =	ssyncset.done @!p0 $0x0  }
0x94: {  	[sflag:s0] =	ssyncadd.s32 @!p0 s1  }
0x95: {  	[bflag:$0x3] =	sbarrier.arrive $0xFFFF  }
0x96: {  	_ =	shalt  }

// kernel: kernel.17.cloned.1.call-start
scs
__scs_entry_jumppad:
0x0: {  	(pc) =	sbr.rel $0x88, $3  }
0x1: {  	(tag) =	ssettag $0x0;
	lr =	simm.s32 $0x1  }
0x2: {  	[smem:$0x3F9A] =	sst lr;
	_ =	strace $0xD0000000  }
0x3: {  	_ = 	snop  }
0x4: {  	_ = 	snop  }
0x5: {  	_ = 	snop  }
0x6: {  	_ = 	snop  }
0x7: {  	_ = 	snop  }
__scs_overlays_trampoline_lowered:
0x8: {  	[smem:$0x3FA9] =	sst s0  }
0x9: {  	[smem:$0x3FAA] =	sst s1  }
0xa: {  	[smem:$0x3FAB] =	sst s2  }
0xb: {  	[smem:$0x3FAC] =	sst s3  }
0xc: {  	[smem:$0x3FAD] =	sst s4  }
0xd: {  	[smem:$0x3FAE] =	sst s5  }
0xe: {  	[smem:$0x3FAF] =	sst s6  }
0xf: {  	[smem:$0x3FB0] =	sst s7  }
0x10: {  	[smem:$0x3FB1] =	sst s8  }
0x11: {  	[smem:$0x3FB2] =	sst s9;
	s0 =	simm.s32 @!p0 $0x0  }
0x12: {  	s1 =	sld [smem:$0x3F98];
	s0 =	simm.s32 @p0 $0x1  }
0x13: {  	[smem:$0x3FB3] =	sst s0;
	s0 =	simm.s32 @!p1 $0x0  }
0x14: {  	s2 =	sld [smem:$0x3F97];
	s0 =	simm.s32 @p1 $0x1  }
0x15: {  	[smem:$0x3FB4] =	sst s0;
	s0 =	simm.s32 @!p2 $0x0  }
0x16: {  	s3 =	sld [smem:$0x3FDB];
	s0 =	simm.s32 @p2 $0x1  }
0x17: {  	s4 =	simm.s32 $0x1BF5;
	[smem:$0x3FB6] =	sst s0  }
0x18: {  	s0 =	sld [smem:$0x3F99];
	_ =	swait.ge [sflag:s4], $0x0  }
0x19: {  	s7 =	sld [smem:$0x3F9A]  }
0x1a: {  	s8 =	sadd.s32 $0xFFFFE003, lr  }
0x1b: {  	s9 =	sadd.s32 $0xFFFFFEF7, lr;
	s5 =	simm.s32 $0xFFFFFFFF;
	p2 =	slt.u32 s8, $0xFFFFF086  }
0x1c: {  	p1 =	slt.u32 s9, $0xF7A;
	s5 =	simm.s32 @!p2 $0x0  }
0x1d: {  	s5 =	simm.s32 @p1 $0x1;
	p0 =	seq.s32 s7, s2  }
0x1e: {  	s7 =	smul.u32 @!p0 $0xF7A, s2;
	p2 =	seq.s32 @!p0 s5, $0x0  }
0x1f: {  	s9 =	smul.u32 $0xF7A, s1;
	s8 =	simm.s32 @!p0 $0x1BF5;
	p2 =	por !p2, p0  }
0x20: {  	[sflag:s8] =	ssyncset.s32 @!p0 $0xFFFFF086;
	s6 =	sadd.s32 @!p0 s3, s7;
	s7 =	simm.s32 @!p0 $0x108  }
0x21: {  	s3 =	sadd.s32 s3, s9;
	s6 =	sadd.s32 @!p0 $0x88, s6;
	s7 =	simm.s32 @p2 $0x1082  }
0x22: {  	[simem:s7], [sflag:s8] =	dma.local @!p0 [hbm:s6], $0xF7A  }
0x23: {  	s9 =	sor.u32 $0xD0000000, s2;
	s6 =	simm.s32 $0x108;
	_ =	swait.ge @!p0 [sflag:s8], $0x0  }
0x24: {  	s3 =	sadd.s32 $0x88, s3;
	s6 =	simm.s32 @!p1 $0x1082;
	[sflag:s4] =	ssyncset.s32 $0xFFFFF086  }
0x25: {  	[simem:s6], [sflag:s4] =	dma.local [hbm:s3], $0xF7A  }
0x26: {  	[smem:$0x3F9A] =	sst s1;
	(tag) =	ssettag s2;
	_ =	strace s9  }
0x27: {  	s1 =	sld [smem:$0x3FAA]  }
0x28: {  	s2 =	sld [smem:$0x3FAB]  }
0x29: {  	s4 =	sld [smem:$0x3FAD]  }
0x2a: {  	p0 =	seq.s32 s5, $0x0;
	s5 =	sld [smem:$0x3FAE]  }
0x2b: {  	s6 =	sld [smem:$0x3FAF]  }
0x2c: {  	s7 =	sld [smem:$0x3FB0]  }
0x2d: {  	s3 =	simm.s32 $0x108;
	s8 =	sld [smem:$0x3FB1]  }
0x2e: {  	s3 =	simm.s32 @!p0 $0x1082;
	s9 =	sld [smem:$0x3FB2]  }
0x2f: {  	lr =	sadd.s32 s0, s3;
	s0 =	sld [smem:$0x3FA9]  }
0x30: {  	s3 =	sld [smem:$0x3FAC]  }
0x31: {  	[smem:$0x3FB5] =	sst s10  }
0x32: {  	s10 =	sld [smem:$0x3FB3];
	_ =	sdelay $0x3  }
0x33: {  	p0 =	seq.s32 s10, $0x1;
	s10 =	sld [smem:$0x3FB5];
	_ =	sdelay $0x3  }
0x34: {  	[smem:$0x3FB5] =	sst s10  }
0x35: {  	s10 =	sld [smem:$0x3FB4];
	_ =	sdelay $0x3  }
0x36: {  	p1 =	seq.s32 s10, $0x1;
	s10 =	sld [smem:$0x3FB5];
	_ =	sdelay $0x3  }
0x37: {  	[smem:$0x3FB5] =	sst s10  }
0x38: {  	s10 =	sld [smem:$0x3FB6]  }
0x39: {  	_ = 	snop;
	(pc) =	sbr.ind lr, $3  }
0x3a: {  	_ = 	snop  }
0x3b: {  	_ = 	snop  }
0x3c: {  	p2 =	seq.s32 s10, $0x1;
	s10 =	sld [smem:$0x3FB5]  }
0x3d: {  	_ =	shalt  }
0x3e: {  	_ =	shalt  }
0x3f: {  	_ =	shalt  }
0x40: {  	_ =	shalt  }
0x41: {  	_ =	shalt  }
0x42: {  	_ =	shalt  }
0x43: {  	_ =	shalt  }
0x44: {  	_ =	shalt  }
0x45: {  	_ =	shalt  }
0x46: {  	_ =	shalt  }
0x47: {  	_ =	shalt  }
0x48: {  	_ =	shalt  }
0x49: {  	_ =	shalt  }
0x4a: {  	_ =	shalt  }
0x4b: {  	_ =	shalt  }
0x4c: {  	_ =	shalt  }
0x4d: {  	_ =	shalt  }
0x4e: {  	_ =	shalt  }
0x4f: {  	_ =	shalt  }
0x50: {  	_ =	shalt  }
0x51: {  	_ =	shalt  }
0x52: {  	_ =	shalt  }
0x53: {  	_ =	shalt  }
0x54: {  	_ =	shalt  }
0x55: {  	_ =	shalt  }
0x56: {  	_ =	shalt  }
0x57: {  	_ =	shalt  }
0x58: {  	_ =	shalt  }
0x59: {  	_ =	shalt  }
0x5a: {  	_ =	shalt  }
0x5b: {  	_ =	shalt  }
0x5c: {  	_ =	shalt  }
0x5d: {  	_ =	shalt  }
0x5e: {  	_ =	shalt  }
0x5f: {  	_ =	shalt  }
0x60: {  	_ =	shalt  }
0x61: {  	_ =	shalt  }
0x62: {  	_ =	shalt  }
0x63: {  	_ =	shalt  }
0x64: {  	_ =	shalt  }
0x65: {  	_ =	shalt  }
0x66: {  	_ =	shalt  }
0x67: {  	_ =	shalt  }
0x68: {  	_ =	shalt  }
0x69: {  	_ =	shalt  }
0x6a: {  	_ =	shalt  }
0x6b: {  	_ =	shalt  }
0x6c: {  	_ =	shalt  }
0x6d: {  	_ =	shalt  }
0x6e: {  	_ =	shalt  }
0x6f: {  	_ =	shalt  }
0x70: {  	_ =	shalt  }
0x71: {  	_ =	shalt  }
0x72: {  	_ =	shalt  }
0x73: {  	_ =	shalt  }
0x74: {  	_ =	shalt  }
0x75: {  	_ =	shalt  }
0x76: {  	_ =	shalt  }
0x77: {  	_ =	shalt  }
0x78: {  	_ =	shalt  }
0x79: {  	_ =	shalt  }
0x7a: {  	_ =	shalt  }
0x7b: {  	_ =	shalt  }
0x7c: {  	_ =	shalt  }
0x7d: {  	_ =	shalt  }
0x7e: {  	_ =	shalt  }
0x7f: {  	_ =	shalt  }
0x80: {  	_ =	shalt  }
0x81: {  	_ =	shalt  }
0x82: {  	_ =	shalt  }
0x83: {  	_ =	shalt  }
0x84: {  	_ =	shalt  }
0x85: {  	_ =	shalt  }
0x86: {  	_ =	shalt  }
0x87: {  	_ =	shalt  }
.Lfunc_end0:
.L_simem_size_0:
called_computation.3_lowered:
.L_overlay_start_0:
0x88: {  	s2 =	sld [smem:$0x3FD9]  }
0x89: {  	s3 =	sld [smem:$0x3FFE];
	_ =	sdelay $0x1  }
0x8a: {  	s1 =	srdreg.scid  }
0x8b: {  	s0 =	sand.u32 $0x1, s1  }
0x8c: {  	s17 =	sshll.u32 s0, $0xA;
	s2 =	sadd.s32 s3, s2  }
0x8d: {  	s2 =	sadd.s32 s2, s17  }
0x8e: {  	[smem:$0x3FC1] =	sst s2  }
0x8f: {  	_ = 	snop  }
0x90: {  	s2 =	sld [smem:$0x3FD0];
	(tm) =	ssettm $0x1  }
0x91: {  	s18 =	sld [smem:$0x3FFB];
	_ =	sdelay $0x3  }
0x92: {  	_ =	strace s18  }
0x93: {  	s3 =	sld [smem:$0x3FFC];
	_ =	sdelay $0x3  }
0x94: {  	_ =	strace s3  }
0x95: {  	s3 =	sld [smem:$0x3FFD];
	_ =	sdelay $0x3  }
0x96: {  	_ =	strace s3  }
0x97: {  	_ =	strace $0x8FFFFFFF  }
0x98: {  	s19 =	sld [smem:$0x3FDB];
	_ =	sdelay $0x1  }
0x99: {  	s4 =	simm.s32 $_scs_section_size  }
0x9a: {  	s5 =	simm.s32 $_size__tile_overlayer_lowered;
	s6 =	simm.s32 $_tile_overlayer_lowered  }
0x9b: {  	s22 =	simm.s32 $0x1BFF;
	s21 =	sshll.u32 s6, $0x1;
	s3 =	sadd.s32 s4, s19  }
0x9c: {  	s7 =	simm.s32 $0x0;
	s20 =	sshll.u32 s5, $0x1;
	s5 =	sadd.s32 s21, s3  }
0x9d: {  	[timem:s7], [sflag:s22] =	dma.local [hbm:s5], s20  }
0x9e: {  	_ =	swait.ge [sflag:s22], s20  }
0x9f: {  	s4 =	ssub.s32 $0x0, s20;
	[sflag:s22] =	ssyncset.done $0x0  }
0xa0: {  	[sflag:s22] =	ssyncadd.s32 s4;
	_ =	sdelay $0x1  }
0xa1: {  	s23 =	simm.s32 $0x1B8B  }
0xa2: {  	_ =	swait.ge [sflag:s23], $0x1  }
0xa3: {  	[sflag:s23] =	ssyncset.done $0x0  }
0xa4: {  	s25 =	simm.s32 $0x1B8E;
	s24 =	sld [smem:$0x3FFE];
	[sflag:s23] =	ssyncadd.s32 $0xFFFFFFFF  }
0xa5: {  	s26 =	simm.s32 $execute0_lowered;
	[smem:$0x3FD2] =	sst s25  }
0xa6: {  	s5 =	sshll.u32 s26, $0x1;
	_ =	strace $0x8000004F;
	[dreg:$0x1] =	wrdreg $0xFFFFFFFF  }
0xa7: {  	s28 =	simm.s32 $_size_execute0_lowered;
	s3 =	sadd.s32 s3, s5;
	[dreg:$0x0] =	wrdreg $0x0  }
0xa8: {  	s5 =	sshll.u32 s28, $0x1;
	[dreg:$0x2] =	wrdreg s3  }
0xa9: {  	[dreg:$0x3] =	wrdreg s5  }
0xaa: {  	[dreg:$0x4] =	wrdreg $0xC0  }
0xab: {  	_ =	task [dreg:s7], $0x5FFFF  }
0xac: {  	[dreg:$0x1] =	wrdreg $0xFFFFFFFF  }
0xad: {  	[dreg:$0x0] =	wrdreg $0x60  }
0xae: {  	[dreg:$0x2] =	wrdreg s2  }
0xaf: {  	[dreg:$0x3] =	wrdreg s24  }
0xb0: {  	[dreg:$0x4] =	wrdreg $0x9  }
0xb1: {  	_ =	task.clear_ibuf [dreg:s7], $0x5FFFF;
	_ =	strace $0x9000004F  }
0xb2: {  	s29 =	simm.s32 $0x9;
	_ =	strace $0x80000051  }
0xb3: {  	_ =	swait.ge [sflag:s29], $0x1  }
0xb4: {  	[sflag:s29] =	ssyncadd.s32 $0xFFFFFFFF  }
0xb5: {  	_ =	strace $0x90000051  }
0xb6: {  	_ =	sfence  }
0xb7: {  	s30 =	sld [smem:$0x0];
	_ =	sdelay $0x2  }
0xb8: {  	s31 =	sshll.u32 s1, $0xD;
	s1 =	sshrl.u32 s1, $0x2  }
0xb9: {  	s3 =	sand.u32 $0x4000, s31;
	s1 =	sadd.s32 s1, s30  }
0xba: {  	s0 =	sor.u32 s3, s0;
	s1 =	sshll.u32 s1, $0x11  }
0xbb: {  	s0 =	sor.u32 s1, s0  }
0xbc: {  	s0 =	sadd.s32 $0x8F2B, s0  }
0xbd: {  	[sflag:s0] =	ssyncadd.remote.s32 $0x1  }
0xbe: {  	_ =	sfence.sel $0xFFFF  }
0xbf: {  	[dreg:$0x0] =	wrdreg $0xFFFFFFFF;
	(pc) =	sbr.abs _section_cstart, $3  }
0xc0: {  	[dreg:$0x1] =	wrdreg $0xFFFFFFFF  }
0xc1: {  	_ =	task.clear_ibuf [dreg:s7], $0x2FFFF;
	_ =	strace $0x9FFFFFFF  }
0xc2: {  	(tm) =	ssettm $0x7FFFFFFF  }
0xc3: {  	_ =	shalt  }
tec
execute0_lowered:
.L_overlay_start_1:
0x0: {  	(tag) =	ssettag $0x1  }
0x1: {  	s3 =	rddreg [dreg:$0x0]  }
0x2: {  	s9 =	rddreg [dreg:$0x1]  }
0x3: {  	s2 =	srdreg.scid;
	s1 =	stileid.u32  }
0x4: {  	s0 =	rddreg [dreg:$0x2];
	s7 =	sand.u32 $0x1, s2;
	s31 =	sshll.u32 s1, $0x5  }
0x5: {  	s4 =	sshll.u32 s1, $0xA;
	s2 =	simm.s32 $0x0;
	s5 =	sshll.u32 s7, $0x4  }
0x6: {  	s6 =	sand.u32 $0x60, s31;
	s4 =	sand.u32 $0x3000, s4;
	[smem:$0x7FF] =	sst s2  }
0x7: {  	s10 =	ssub.s32 $0x2, s7;
	s5 =	sor.u32 s5, s6;
	_ =	strace $0x80000050  }
0x8: {  	s6 =	simm.s32 $0x2;
	s11 =	sshrl.u32 s10, $0x1;
	s8 =	sor.u32 s4, s5  }
0x9: {  	s4 =	simm.s32 $0x80;
	s5 =	simm.s32 $0x400;
	s3 =	sadd.s32 s3, s8  }
0xa: {  	[tilespmem:s2], [sflag:$0x2] =	stream.strided.gather [hbm4b:s3+s4], $0x1000, s5, s4, $0x38;
	[tilespmem:$0x2000] =	vst v63  }
0xb: {  	s10 =	ssub.s32 s10, s11;
	_ =	swait.ge [sflag:s6], $0x1000  }
0xc: {  	s8 =	sadd.s32 s8, s9;
	s11 =	smax.u32 s10, $0x1;
	[sflag:s6] =	ssyncset.done $0x0  }
0xd: {  	s7 =	sadd.s32 $0x20B800, s8;
	s8 =	simm.s32 $0x1000;
	[sflag:s6] =	ssyncadd.s32 $0xFFFFF000  }
0xe: {  	[tilespmem:s8], [sflag:$0x2] =	stream.strided.gather [hbm4b:s7+s4], $0x1000, s5, s4, $0x38;
	[tilespmem:$0x2000] =	vst v63  }
0xf: {  	p0 =	sne.s32 s11, $0x1;
	_ =	swait.ge [sflag:s6], $0x1000  }
.Ltmp0:
0x10: {  	[sflag:s6] =	ssyncset.done $0x0;
	(pc) =	sbr.rel @!p0 .LBB2_2-.Ltmp0, $4  }
0x11: {  	s9 =	sadd.s32 $0x7800, s9;
	s10 =	simm.s32 $0x1;
	[sflag:s6] =	ssyncadd.s32 $0xFFFFF000  }
0x12: {  	[hbm4b:s9+s8] =	stream.indirect.scatter [tilespmem:s8], [sflag:$0x1], $0x1, s2, s8, $0xb8;
	[tilespmem:$0x2000] =	vst v63  }
0x13: {  	_ =	swait.ge [sflag:s10], $0x1000  }
0x14: {  	s11 =	sadd.s32 $0xFFFFFFFF, s11;
	[sflag:s10] =	ssyncset.done $0x0  }
.LBB2_1:
0x15: {  	p0 =	sne.s32 s11, $0x1;
	s11 =	sadd.s32 $0xFFFFFFFF, s11;
	[sflag:s10] =	ssyncadd.s32 $0xFFFFF000  }
0x16: {  	[tilespmem:s2], [sflag:$0x2] =	stream.strided.gather [hbm4b:s3+s4], $0x1000, s5, s4, $0x38;
	[tilespmem:$0x2000] =	vst v63  }
0x17: {  	_ =	swait.ge [sflag:s6], $0x1000  }
0x18: {  	[sflag:s6] =	ssyncset.done $0x0  }
0x19: {  	[sflag:s6] =	ssyncadd.s32 $0xFFFFF000  }
0x1a: {  	[tilespmem:s8], [sflag:$0x2] =	stream.strided.gather [hbm4b:s7+s4], $0x1000, s5, s4, $0x38;
	[tilespmem:$0x2000] =	vst v63  }
0x1b: {  	_ =	swait.ge [sflag:s6], $0x1000  }
.Ltmp1:
0x1c: {  	[sflag:s6] =	ssyncset.done $0x0;
	(pc) =	sbr.rel @p0 .LBB2_1-.Ltmp1, $4  }
0x1d: {  	[sflag:s6] =	ssyncadd.s32 $0xFFFFF000  }
0x1e: {  	[hbm4b:s9+s8] =	stream.indirect.scatter [tilespmem:s8], [sflag:$0x1], $0x1, s2, s8, $0xb8;
	[tilespmem:$0x2000] =	vst v63  }
0x1f: {  	_ =	swait.ge [sflag:s10], $0x1000  }
0x20: {  	[sflag:s10] =	ssyncset.done $0x0  }
.LBB2_2:
0x21: {  	[sflag:s10] =	ssyncadd.s32 $0xFFFFF000  }
0x22: {  	_ =	sfence.sel $0x180000  }
0x23: {  	[bflag:$0x0] =	sbarrier.arrive $0xFFFF  }
0x24: {  	p0 =	sne.s32 s1, $0x0;
	_ =	strace $0x90000050  }
0x25: {  	s0 =	sadd.s32 @!p0 $0x100000, s0;
	[bflag:$0x2] =	sbarrier.arrive $0xFFFF  }
0x26: {  	[sflag:s0] =	ssyncadd.tile.s32 @!p0 $0x1;
	_ =	shalt  }
.Lfunc_end2:
_tile_overlayer_lowered:
.L_overlay_start_2:
0x27: {  	(tag) =	ssettag $0x2  }
0x28: {  	s0 =	rddreg [dreg:$0x0];
	s2 =	stileid.u32  }
0x29: {  	s1 =	rddreg [dreg:$0x1];
	p0 =	sne.s32 s2, $0x0  }
0x2a: {  	s3 =	rddreg [dreg:$0x2];
	[bflag:$0x3] =	sbarrier.arrive $0xFFFF;
	s2 =	simm.s32 @!p0 $0x1C02  }
0x2b: {  	[timem:s3], [sflag:s2] =	dma.local @!p0 [hbm:s0], s1  }
0x2c: {  	s0 =	simm.s32 @!p0 $0x2  }
0x2d: {  	_ =	swait.ge @!p0 [sflag:s0], s1  }
0x2e: {  	s1 =	ssub.s32 @!p0 $0x0, s1;
	[sflag:s0] =	ssyncset.done @!p0 $0x0  }
0x2f: {  	[sflag:s0] =	ssyncadd.s32 @!p0 s1  }
0x30: {  	[bflag:$0x3] =	sbarrier.arrive $0xFFFF  }
0x31: {  	_ =	shalt  }

// kernel: kernel.8.cloned.1.call-start
scs
__scs_entry_jumppad:
0x0: {  	(pc) =	sbr.rel $0x88, $3  }
0x1: {  	(tag) =	ssettag $0x0;
	lr =	simm.s32 $0x1  }
0x2: {  	[smem:$0x3F9A] =	sst lr;
	_ =	strace $0xD0000000  }
0x3: {  	_ = 	snop  }
0x4: {  	_ = 	snop  }
0x5: {  	_ = 	snop  }
0x6: {  	_ = 	snop  }
0x7: {  	_ = 	snop  }
__scs_overlays_trampoline_lowered:
0x8: {  	[smem:$0x3FA9] =	sst s0  }
0x9: {  	[smem:$0x3FAA] =	sst s1  }
0xa: {  	[smem:$0x3FAB] =	sst s2  }
0xb: {  	[smem:$0x3FAC] =	sst s3  }
0xc: {  	[smem:$0x3FAD] =	sst s4  }
0xd: {  	[smem:$0x3FAE] =	sst s5  }
0xe: {  	[smem:$0x3FAF] =	sst s6  }
0xf: {  	[smem:$0x3FB0] =	sst s7  }
0x10: {  	[smem:$0x3FB1] =	sst s8  }
0x11: {  	[smem:$0x3FB2] =	sst s9;
	s0 =	simm.s32 @!p0 $0x0  }
0x12: {  	s1 =	sld [smem:$0x3F98];
	s0 =	simm.s32 @p0 $0x1  }
0x13: {  	[smem:$0x3FB3] =	sst s0;
	s0 =	simm.s32 @!p1 $0x0  }
0x14: {  	s2 =	sld [smem:$0x3F97];
	s0 =	simm.s32 @p1 $0x1  }
0x15: {  	[smem:$0x3FB4] =	sst s0;
	s0 =	simm.s32 @!p2 $0x0  }
0x16: {  	s3 =	sld [smem:$0x3FDB];
	s0 =	simm.s32 @p2 $0x1  }
0x17: {  	s4 =	simm.s32 $0x1BF5;
	[smem:$0x3FB6] =	sst s0  }
0x18: {  	s0 =	sld [smem:$0x3F99];
	_ =	swait.ge [sflag:s4], $0x0  }
0x19: {  	s7 =	sld [smem:$0x3F9A]  }
0x1a: {  	s8 =	sadd.s32 $0xFFFFE003, lr  }
0x1b: {  	s9 =	sadd.s32 $0xFFFFFEF7, lr;
	s5 =	simm.s32 $0xFFFFFFFF;
	p2 =	slt.u32 s8, $0xFFFFF086  }
0x1c: {  	p1 =	slt.u32 s9, $0xF7A;
	s5 =	simm.s32 @!p2 $0x0  }
0x1d: {  	s5 =	simm.s32 @p1 $0x1;
	p0 =	seq.s32 s7, s2  }
0x1e: {  	s7 =	smul.u32 @!p0 $0xF7A, s2;
	p2 =	seq.s32 @!p0 s5, $0x0  }
0x1f: {  	s9 =	smul.u32 $0xF7A, s1;
	s8 =	simm.s32 @!p0 $0x1BF5;
	p2 =	por !p2, p0  }
0x20: {  	[sflag:s8] =	ssyncset.s32 @!p0 $0xFFFFF086;
	s6 =	sadd.s32 @!p0 s3, s7;
	s7 =	simm.s32 @!p0 $0x108  }
0x21: {  	s3 =	sadd.s32 s3, s9;
	s6 =	sadd.s32 @!p0 $0x88, s6;
	s7 =	simm.s32 @p2 $0x1082  }
0x22: {  	[simem:s7], [sflag:s8] =	dma.local @!p0 [hbm:s6], $0xF7A  }
0x23: {  	s9 =	sor.u32 $0xD0000000, s2;
	s6 =	simm.s32 $0x108;
	_ =	swait.ge @!p0 [sflag:s8], $0x0  }
0x24: {  	s3 =	sadd.s32 $0x88, s3;
	s6 =	simm.s32 @!p1 $0x1082;
	[sflag:s4] =	ssyncset.s32 $0xFFFFF086  }
0x25: {  	[simem:s6], [sflag:s4] =	dma.local [hbm:s3], $0xF7A  }
0x26: {  	[smem:$0x3F9A] =	sst s1;
	(tag) =	ssettag s2;
	_ =	strace s9  }
0x27: {  	s1 =	sld [smem:$0x3FAA]  }
0x28: {  	s2 =	sld [smem:$0x3FAB]  }
0x29: {  	s4 =	sld [smem:$0x3FAD]  }
0x2a: {  	p0 =	seq.s32 s5, $0x0;
	s5 =	sld [smem:$0x3FAE]  }
0x2b: {  	s6 =	sld [smem:$0x3FAF]  }
0x2c: {  	s7 =	sld [smem:$0x3FB0]  }
0x2d: {  	s3 =	simm.s32 $0x108;
	s8 =	sld [smem:$0x3FB1]  }
0x2e: {  	s3 =	simm.s32 @!p0 $0x1082;
	s9 =	sld [smem:$0x3FB2]  }
0x2f: {  	lr =	sadd.s32 s0, s3;
	s0 =	sld [smem:$0x3FA9]  }
0x30: {  	s3 =	sld [smem:$0x3FAC]  }
0x31: {  	[smem:$0x3FB5] =	sst s10  }
0x32: {  	s10 =	sld [smem:$0x3FB3];
	_ =	sdelay $0x3  }
0x33: {  	p0 =	seq.s32 s10, $0x1;
	s10 =	sld [smem:$0x3FB5];
	_ =	sdelay $0x3  }
0x34: {  	[smem:$0x3FB5] =	sst s10  }
0x35: {  	s10 =	sld [smem:$0x3FB4];
	_ =	sdelay $0x3  }
0x36: {  	p1 =	seq.s32 s10, $0x1;
	s10 =	sld [smem:$0x3FB5];
	_ =	sdelay $0x3  }
0x37: {  	[smem:$0x3FB5] =	sst s10  }
0x38: {  	s10 =	sld [smem:$0x3FB6]  }
0x39: {  	_ = 	snop;
	(pc) =	sbr.ind lr, $3  }
0x3a: {  	_ = 	snop  }
0x3b: {  	_ = 	snop  }
0x3c: {  	p2 =	seq.s32 s10, $0x1;
	s10 =	sld [smem:$0x3FB5]  }
0x3d: {  	_ =	shalt  }
0x3e: {  	_ =	shalt  }
0x3f: {  	_ =	shalt  }
0x40: {  	_ =	shalt  }
0x41: {  	_ =	shalt  }
0x42: {  	_ =	shalt  }
0x43: {  	_ =	shalt  }
0x44: {  	_ =	shalt  }
0x45: {  	_ =	shalt  }
0x46: {  	_ =	shalt  }
0x47: {  	_ =	shalt  }
0x48: {  	_ =	shalt  }
0x49: {  	_ =	shalt  }
0x4a: {  	_ =	shalt  }
0x4b: {  	_ =	shalt  }
0x4c: {  	_ =	shalt  }
0x4d: {  	_ =	shalt  }
0x4e: {  	_ =	shalt  }
0x4f: {  	_ =	shalt  }
0x50: {  	_ =	shalt  }
0x51: {  	_ =	shalt  }
0x52: {  	_ =	shalt  }
0x53: {  	_ =	shalt  }
0x54: {  	_ =	shalt  }
0x55: {  	_ =	shalt  }
0x56: {  	_ =	shalt  }
0x57: {  	_ =	shalt  }
0x58: {  	_ =	shalt  }
0x59: {  	_ =	shalt  }
0x5a: {  	_ =	shalt  }
0x5b: {  	_ =	shalt  }
0x5c: {  	_ =	shalt  }
0x5d: {  	_ =	shalt  }
0x5e: {  	_ =	shalt  }
0x5f: {  	_ =	shalt  }
0x60: {  	_ =	shalt  }
0x61: {  	_ =	shalt  }
0x62: {  	_ =	shalt  }
0x63: {  	_ =	shalt  }
0x64: {  	_ =	shalt  }
0x65: {  	_ =	shalt  }
0x66: {  	_ =	shalt  }
0x67: {  	_ =	shalt  }
0x68: {  	_ =	shalt  }
0x69: {  	_ =	shalt  }
0x6a: {  	_ =	shalt  }
0x6b: {  	_ =	shalt  }
0x6c: {  	_ =	shalt  }
0x6d: {  	_ =	shalt  }
0x6e: {  	_ =	shalt  }
0x6f: {  	_ =	shalt  }
0x70: {  	_ =	shalt  }
0x71: {  	_ =	shalt  }
0x72: {  	_ =	shalt  }
0x73: {  	_ =	shalt  }
0x74: {  	_ =	shalt  }
0x75: {  	_ =	shalt  }
0x76: {  	_ =	shalt  }
0x77: {  	_ =	shalt  }
0x78: {  	_ =	shalt  }
0x79: {  	_ =	shalt  }
0x7a: {  	_ =	shalt  }
0x7b: {  	_ =	shalt  }
0x7c: {  	_ =	shalt  }
0x7d: {  	_ =	shalt  }
0x7e: {  	_ =	shalt  }
0x7f: {  	_ =	shalt  }
0x80: {  	_ =	shalt  }
0x81: {  	_ =	shalt  }
0x82: {  	_ =	shalt  }
0x83: {  	_ =	shalt  }
0x84: {  	_ =	shalt  }
0x85: {  	_ =	shalt  }
0x86: {  	_ =	shalt  }
0x87: {  	_ =	shalt  }
.Lfunc_end0:
.L_simem_size_0:
called_computation_lowered:
.L_overlay_start_0:
0x88: {  	s2 =	sld [smem:$0x3FD9]  }
0x89: {  	s3 =	sld [smem:$0x3FFE];
	_ =	sdelay $0x1  }
0x8a: {  	s1 =	srdreg.scid  }
0x8b: {  	s0 =	sand.u32 $0x1, s1  }
0x8c: {  	s16 =	sshll.u32 s0, $0xA;
	s2 =	sadd.s32 s3, s2  }
0x8d: {  	s2 =	sadd.s32 s2, s16  }
0x8e: {  	[smem:$0x3FC1] =	sst s2  }
0x8f: {  	_ = 	snop  }
0x90: {  	(tm) =	ssettm $0x1  }
0x91: {  	s17 =	sld [smem:$0x3FFB];
	_ =	sdelay $0x3  }
0x92: {  	_ =	strace s17  }
0x93: {  	s2 =	sld [smem:$0x3FFC];
	_ =	sdelay $0x3  }
0x94: {  	_ =	strace s2  }
0x95: {  	s2 =	sld [smem:$0x3FFD];
	_ =	sdelay $0x3  }
0x96: {  	_ =	strace s2  }
0x97: {  	_ =	strace $0x8FFFFFFF  }
0x98: {  	s18 =	sld [smem:$0x3FDB];
	_ =	sdelay $0x1  }
0x99: {  	s19 =	simm.s32 $_scs_section_size  }
0x9a: {  	s4 =	simm.s32 $_size__tile_overlayer_lowered;
	s5 =	simm.s32 $_tile_overlayer_lowered  }
0x9b: {  	s22 =	simm.s32 $0x1BFF;
	s21 =	sshll.u32 s5, $0x1;
	s2 =	sadd.s32 s19, s18  }
0x9c: {  	s6 =	simm.s32 $0x0;
	s20 =	sshll.u32 s4, $0x1;
	s4 =	sadd.s32 s21, s2  }
0x9d: {  	[timem:s6], [sflag:s22] =	dma.local [hbm:s4], s20  }
0x9e: {  	_ =	swait.ge [sflag:s22], s20  }
0x9f: {  	s3 =	ssub.s32 $0x0, s20;
	[sflag:s22] =	ssyncset.done $0x0  }
0xa0: {  	[sflag:s22] =	ssyncadd.s32 s3;
	_ =	sdelay $0x1  }
0xa1: {  	s23 =	simm.s32 $0x1B8B  }
0xa2: {  	_ =	swait.ge [sflag:s23], $0x1  }
0xa3: {  	[sflag:s23] =	ssyncset.done $0x0  }
0xa4: {  	s25 =	simm.s32 $0x1B8E;
	s24 =	sld [smem:$0x3FFE];
	[sflag:s23] =	ssyncadd.s32 $0xFFFFFFFF  }
0xa5: {  	s26 =	simm.s32 $execute0_lowered;
	[smem:$0x3FD2] =	sst s25  }
0xa6: {  	s4 =	sshll.u32 s26, $0x1;
	_ =	strace $0x80000046;
	[dreg:$0x1] =	wrdreg $0xFFFFFFFF  }
0xa7: {  	s28 =	simm.s32 $_size_execute0_lowered;
	s2 =	sadd.s32 s2, s4;
	[dreg:$0x0] =	wrdreg $0x0  }
0xa8: {  	s4 =	sshll.u32 s28, $0x1;
	[dreg:$0x2] =	wrdreg s2  }
0xa9: {  	[dreg:$0x3] =	wrdreg s4  }
0xaa: {  	[dreg:$0x4] =	wrdreg $0xC0  }
0xab: {  	_ =	task [dreg:s6], $0x5FFFF  }
0xac: {  	[dreg:$0x1] =	wrdreg $0xFFFFFFFF  }
0xad: {  	[dreg:$0x0] =	wrdreg $0x60  }
0xae: {  	[dreg:$0x2] =	wrdreg s24  }
0xaf: {  	[dreg:$0x3] =	wrdreg $0x28000  }
0xb0: {  	[dreg:$0x4] =	wrdreg $0x9  }
0xb1: {  	_ =	task.clear_ibuf [dreg:s6], $0x5FFFF;
	_ =	strace $0x90000046  }
0xb2: {  	s29 =	simm.s32 $0x9;
	_ =	strace $0x80000048  }
0xb3: {  	_ =	swait.ge [sflag:s29], $0x1  }
0xb4: {  	[sflag:s29] =	ssyncadd.s32 $0xFFFFFFFF  }
0xb5: {  	_ =	strace $0x90000048  }
0xb6: {  	_ =	sfence  }
0xb7: {  	s30 =	sld [smem:$0x0];
	_ =	sdelay $0x2  }
0xb8: {  	s31 =	sshll.u32 s1, $0xD;
	s1 =	sshrl.u32 s1, $0x2  }
0xb9: {  	s3 =	sand.u32 $0x4000, s31;
	s1 =	sadd.s32 s1, s30  }
0xba: {  	s0 =	sor.u32 s3, s0;
	s1 =	sshll.u32 s1, $0x11  }
0xbb: {  	s0 =	sor.u32 s1, s0  }
0xbc: {  	s0 =	sadd.s32 $0x8F2B, s0  }
0xbd: {  	[sflag:s0] =	ssyncadd.remote.s32 $0x1  }
0xbe: {  	_ =	sfence.sel $0xFFFF  }
0xbf: {  	[dreg:$0x0] =	wrdreg $0xFFFFFFFF;
	(pc) =	sbr.abs _section_cstart, $3  }
0xc0: {  	[dreg:$0x1] =	wrdreg $0xFFFFFFFF  }
0xc1: {  	_ =	task.clear_ibuf [dreg:s6], $0x2FFFF;
	_ =	strace $0x9FFFFFFF  }
0xc2: {  	(tm) =	ssettm $0x7FFFFFFF  }
0xc3: {  	_ =	shalt  }
tec
execute0_lowered:
.L_overlay_start_1:
0x0: {  	(tag) =	ssettag $0x1  }
0x1: {  	s4 =	rddreg [dreg:$0x0]  }
0x2: {  	s1 =	rddreg [dreg:$0x1]  }
0x3: {  	s2 =	srdreg.scid;
	s7 =	stileid.u32  }
0x4: {  	s0 =	rddreg [dreg:$0x2];
	s10 =	simm.s32 $0x80;
	s11 =	simm.s32 $0x400  }
0x5: {  	s12 =	simm.s32 $0x2;
	s13 =	simm.s32 $0x800;
	s14 =	simm.s32 $0x1000  }
0x6: {  	s15 =	simm.s32 $0x2000;
	s16 =	simm.s32 $0x1;
	s17 =	simm.s32 $0x1800  }
0x7: {  	s18 =	simm.s32 $0x0;
	s3 =	sand.u32 $0x1, s2;
	s28 =	sshll.u32 s7, $0x5  }
0x8: {  	s5 =	sshll.u32 s7, $0x9;
	s2 =	simm.s32 $0x0;
	p0 =	sne.s32 s7, $0x0  }
0x9: {  	s6 =	sshll.u32 s3, $0x4;
	s8 =	sand.u32 $0x60, s28;
	s5 =	sand.u32 $0x1800, s5  }
0xa: {  	[smem:$0x7FF] =	sst s2;
	s29 =	ssub.s32 $0x2, s3;
	s6 =	sor.u32 s6, s8  }
0xb: {  	s3 =	sadd.s32 $0x7600, s4;
	s31 =	sshrl.u32 s29, $0x1;
	s5 =	sor.u32 s5, s6  }
0xc: {  	_ =	strace $0x80000047;
	s9 =	ssub.s32 s29, s31;
	s30 =	sadd.s32 s5, s4  }
0xd: {  	s4 =	sadd.s32 $0x7800, s4;
	s8 =	smax.u32 s9, $0x1;
	s9 =	sshrl.u32 @!p0 s1, $0x3  }
0xe: {  	s5 =	sadd.s32 $0x5600, s30;
	s6 =	sadd.s32 $0x3600, s30;
	s7 =	sadd.s32 $0x1600, s30  }
.LBB2_1:
0xf: {  	s19 =	simm.s32 @!p0 $0x1C02  }
0x10: {  	[spmem:s9], [sflag:s19] =	dma.local @!p0 [hbm:s3], $0x80  }
0x11: {  	s19 =	simm.s32 @!p0 $0x2  }
0x12: {  	_ =	swait.ge @!p0 [sflag:s19], $0x80  }
0x13: {  	[sflag:s19] =	ssyncset.done @!p0 $0x0  }
0x14: {  	[sflag:s19] =	ssyncadd.s32 @!p0 $0xFFFFFF80  }
0x15: {  	[bflag:$0x0] =	sbarrier.arrive $0xFFFF  }
0x16: {  	[tilespmem:s2], [sflag:$0x2] =	stream.strided.gather [hbm4b:s5+s10], $0x800, s11, s10, $0x38;
	[tilespmem:$0x2840] =	vst v63  }
0x17: {  	_ =	swait.ge [sflag:s12], $0x800  }
0x18: {  	[sflag:s12] =	ssyncset.done $0x0  }
0x19: {  	[sflag:s12] =	ssyncadd.s32 $0xFFFFF800  }
0x1a: {  	[tilespmem:s13], [sflag:$0x2] =	stream.strided.gather [hbm4b:s6+s10], $0x800, s11, s10, $0x38;
	[tilespmem:$0x2840] =	vst v63  }
0x1b: {  	_ =	swait.ge [sflag:s12], $0x800  }
0x1c: {  	[sflag:s12] =	ssyncset.done $0x0  }
0x1d: {  	[sflag:s12] =	ssyncadd.s32 $0xFFFFF800  }
0x1e: {  	[tilespmem:s14], [sflag:$0x2] =	stream.strided.gather [hbm4b:s7+s10], $0x800, s11, s10, $0x38;
	[tilespmem:$0x2840] =	vst v63  }
0x1f: {  	_ =	swait.ge [sflag:s12], $0x800  }
0x20: {  	[sflag:s12] =	ssyncset.done $0x0  }
0x21: {  	s19 =	simm.s32 $0x0;
	[sflag:s12] =	ssyncadd.s32 $0xFFFFF800  }
0x22: {  	v0 =	vld [tilespmem:s19+$0x0]  }
0x23: {  	s20 =	simm.s32 $0x40;
	v1 =	vld [tilespmem:s19+$0x800]  }
.LBB2_2:
0x24: {  	p1 =	sne.s32 s20, $0x1FC0  }
.Ltmp0:
0x25: {  	_ = 	snop;
	(pc) =	sbr.rel @p1 .LBB2_2-.Ltmp0, $4  }
0x26: {  	_ = 	snop  }
0x27: {  	s21 =	sshra.s32 s20, $0x2;
	s20 =	sadd.s32 $0x40, s20;
	v2 =	vshll.u32 v0, $0xC  }
0x28: {  	v0 =	vld [tilespmem:s21+$0x0];
	v2 =	vadd.s32 v1, v2  }
0x29: {  	v1 =	vld [tilespmem:s21+$0x800];
	[tilespmem:s19+$0x1800] =	vst v2;
	s19 =	smov.u32 s21  }
0x2a: {  	_ =	sdelay $0x2  }
0x2b: {  	v0 =	vshll.u32 v0, $0xC  }
0x2c: {  	v0 =	vadd.s32 v1, v0  }
0x2d: {  	[tilespmem:s19+$0x1800] =	vst v0  }
0x2e: {  	[tilespmem:s15], [sflag:$0x1] =	stream.indirect.gather [spmem:s1], $0x1, s14, s13, $0xb8;
	[tilespmem:$0x2840] =	vst v63  }
0x2f: {  	_ =	swait.ge [sflag:s16], $0x800  }
0x30: {  	[sflag:s16] =	ssyncset.done $0x0  }
0x31: {  	s20 =	simm.s32 $0x40;
	s19 =	simm.s32 $0x0;
	[sflag:s16] =	ssyncadd.s32 $0xFFFFF800  }
.LBB2_4:
0x32: {  	p1 =	sne.s32 s20, $0x1FC0;
	v0 =	vld [tilespmem:s19+$0x2000];
	_ =	sdelay $0x1  }
.Ltmp1:
0x33: {  	(pc) =	sbr.rel @p1 .LBB2_4-.Ltmp1, $3  }
0x34: {  	_ =	sdelay $0x1  }
0x35: {  	v0 =	vxor.u32 $0x80000000, v0  }
0x36: {  	[tilespmem:s19+$0x2000] =	vst v0;
	s19 =	sshra.s32 s20, $0x2;
	s20 =	sadd.s32 $0x40, s20  }
0x37: {  	v0 =	vld [tilespmem:s19+$0x2000];
	_ =	sdelay $0x3  }
0x38: {  	s18 =	sadd.s32 $0x1, s18  }
0x39: {  	p1 =	sne.s32 s18, s8;
	v0 =	vxor.u32 $0x80000000, v0  }
.Ltmp2:
0x3a: {  	[tilespmem:s19+$0x2000] =	vst v0;
	(pc) =	sbr.rel @p1 .LBB2_1-.Ltmp2, $4  }
0x3b: {  	[hbm4b:s4+s13] =	stream.indirect.scatter [tilespmem:s15], [sflag:$0x1], $0x1, s17, s13, $0xb8;
	[tilespmem:$0x2840] =	vst v63  }
0x3c: {  	_ =	swait.ge [sflag:s16], $0x800  }
0x3d: {  	[sflag:s16] =	ssyncset.done $0x0  }
0x3e: {  	[sflag:s16] =	ssyncadd.s32 $0xFFFFF800  }
0x3f: {  	_ =	sfence.sel $0x180000  }
0x40: {  	[bflag:$0x0] =	sbarrier.arrive $0xFFFF  }
0x41: {  	_ =	strace $0x90000047  }
0x42: {  	s0 =	sadd.s32 @!p0 $0x100000, s0;
	[bflag:$0x2] =	sbarrier.arrive $0xFFFF  }
0x43: {  	[sflag:s0] =	ssyncadd.tile.s32 @!p0 $0x1;
	_ =	shalt  }
.Lfunc_end2:
_tile_overlayer_lowered:
.L_overlay_start_2:
0x44: {  	(tag) =	ssettag $0x2  }
0x45: {  	s0 =	rddreg [dreg:$0x0];
	s2 =	stileid.u32  }
0x46: {  	s1 =	rddreg [dreg:$0x1];
	p0 =	sne.s32 s2, $0x0  }
0x47: {  	s3 =	rddreg [dreg:$0x2];
	[bflag:$0x3] =	sbarrier.arrive $0xFFFF;
	s2 =	simm.s32 @!p0 $0x1C02  }
0x48: {  	[timem:s3], [sflag:s2] =	dma.local @!p0 [hbm:s0], s1  }
0x49: {  	s0 =	simm.s32 @!p0 $0x2  }
0x4a: {  	_ =	swait.ge @!p0 [sflag:s0], s1  }
0x4b: {  	s1 =	ssub.s32 @!p0 $0x0, s1;
	[sflag:s0] =	ssyncset.done @!p0 $0x0  }
0x4c: {  	[sflag:s0] =	ssyncadd.s32 @!p0 s1  }
0x4d: {  	[bflag:$0x3] =	sbarrier.arrive $0xFFFF  }
0x4e: {  	_ =	shalt  }

</sc_bundles>
